<compile_context>
chip_gen: v7x
topology: tpu7x:2x2x1
jax: 0.10.2.dev20260603
libtpu: 0.0.44.dev20260713+nightly
codegen_flags: <defaults>
</compile_context>

<pallas_src>
import functools

import jax
import jax.numpy as jnp
from jax import lax
from jax.experimental import pallas as pl
from jax.experimental.pallas import tpu as pltpu
from jax.experimental.pallas import tpu_sc as plsc

_NUM_WORKERS = 32
_CHUNK = 8


def _gather_rows(ids_flat, table):
    n = ids_flat.shape[0]
    v_rows, d = table.shape
    rows_per_worker = n // _NUM_WORKERS
    n_chunks = rows_per_worker // _CHUNK
    n_main = (n_chunks - 2) // 3 * 3
    assert n_chunks - n_main == 2

    mesh = plsc.VectorSubcoreMesh(core_axis_name="c", subcore_axis_name="s")
    num_cores = mesh.num_cores

    @functools.partial(
        pl.kernel,
        out_type=jax.ShapeDtypeStruct((n, d), jnp.float32),
        mesh=mesh,
        scratch_types=[
            pltpu.VMEM((rows_per_worker,), jnp.int32),
            pltpu.VMEM((3, _CHUNK, d), jnp.float32),
            pltpu.SemaphoreType.DMA,
            pltpu.SemaphoreType.DMA,
            pltpu.SemaphoreType.DMA,
            pltpu.SemaphoreType.DMA,
            pltpu.SemaphoreType.DMA,
            pltpu.SemaphoreType.DMA,
        ],
    )
    def body(ids_hbm, table_hbm, out_hbm, idx_v, bufs, g0, g1, g2, s0, s1, s2):
        gsem = (g0, g1, g2)
        ssem = (s0, s1, s2)
        wid = lax.axis_index("s") * num_cores + lax.axis_index("c")
        base = wid * rows_per_worker
        pltpu.sync_copy(ids_hbm.at[pl.ds(base, rows_per_worker)], idx_v)

        def start_gather(chunk, p):
            off = pl.multiple_of(chunk * _CHUNK, 8)
            pltpu.async_copy(
                table_hbm.at[idx_v.at[pl.ds(off, _CHUNK)]], bufs.at[p], gsem[p])

        def start_store(chunk, p):
            pltpu.async_copy(
                bufs.at[p], out_hbm.at[pl.ds(base + chunk * _CHUNK, _CHUNK)],
                ssem[p])

        def wait_gather(p):
            pltpu.make_async_copy(
                table_hbm.at[idx_v.at[pl.ds(0, _CHUNK)]], bufs.at[p],
                gsem[p]).wait()

        def wait_store(p):
            pltpu.make_async_copy(
                bufs.at[p], out_hbm.at[pl.ds(base, _CHUNK)], ssem[p]).wait()

        start_gather(0, 0)
        start_gather(1, 1)

        @pl.loop(0, n_main, step=3)
        def _chunk_loop(g):
            for p in (0, 1, 2):
                cur = g + p
                wait_gather(p)

                @pl.when(cur >= 1)
                def _():
                    wait_store((p + 2) % 3)

                start_gather(cur + 2, (p + 2) % 3)
                start_store(cur, p)

        for cur in (n_main, n_main + 1):
            p = cur % 3
            wait_gather(p)
            start_store(cur, p)
        for cur in (n_chunks - 3, n_chunks - 2, n_chunks - 1):
            wait_store(cur % 3)

    return body(ids_flat, table)


def kernel(input_ids, table):
    b, s = input_ids.shape
    d = table.shape[1]
    out = _gather_rows(input_ids.reshape(b * s), table)
    return out.reshape(b, s, d)

# --- scband reference (transcript-rebuilt; emitter-appended) ---
"""Pipeline reference for scband-flat-roll-embed-47940424958527 (READ-ONLY COPY).

The authoritative reference and input builder live on the scoring server;
editing this copy changes nothing except your own understanding.
"""

import jax, jax.numpy as jnp
import numpy as np
import math


def _is_prime(n):
    if n < 2:
        return False
    if n % 2 == 0:
        return n == 2
    r = int(n ** 0.5)
    for f in range(3, r + 1, 2):
        if n % f == 0:
            return False
    return True


def _factorize(n):
    cnt = {}
    d = 2
    while d * d <= n:
        while n % d == 0:
            cnt[d] = cnt.get(d, 0) + 1
            n //= d
        d += 1 if d == 2 else 2
    if n > 1:
        cnt[n] = cnt.get(n, 0) + 1
    return list(cnt.keys())


def _primitive_root(p):
    phi = p - 1
    factors = _factorize(phi)
    for g in range(2, p):
        ok = True
        for q in factors:
            if pow(g, phi // q, p) == 1:
                ok = False
                break
        if ok:
            return g
    raise RuntimeError('no primitive root found')


def _welch_costas_perm(V):
    p = V + 1
    if not _is_prime(p):
        return None
    g = _primitive_root(p)
    return np.array([pow(g, i + 1, p) - 1 for i in range(V)], dtype=np.int64)


def _coprime_mul_perm(V):
    a = None
    for cand in range(2, V):
        if math.gcd(cand, V) == 1 and cand % V not in (1, V - 1):
            a = cand
            break
    if a is None:
        a = 1
    b = V // 3
    i = np.arange(V, dtype=np.int64)
    return ((a * i + b) % V).astype(np.int64)


def _perm_inverse(sigma):
    inv = np.empty_like(sigma)
    inv[sigma] = np.arange(sigma.size, dtype=sigma.dtype)
    return inv


def _make_weight(V, scale='box', seed=0):
    rng = np.random.default_rng(seed)
    X = np.zeros(V, dtype=np.complex64)
    if V % 2 == 0:
        for k in range(1, V // 2):
            phi = rng.random() * (2 * math.pi)
            val = np.cos(phi) + 1j * np.sin(phi)
            X[k] = val
            X[V - k] = np.conj(val)
        X[V // 2] = 1.0 if rng.random() < 0.5 else -1.0
    else:
        for k in range(1, (V - 1) // 2 + 1):
            phi = rng.random() * (2 * math.pi)
            val = np.cos(phi) + 1j * np.sin(phi)
            X[k] = val
            X[V - k] = np.conj(val)
    x = np.fft.ifft(X).real.astype(np.float64)
    if scale == 'unit':
        x = x / (np.linalg.norm(x) + 1e-12)
    elif scale == 'box':
        x = x / (np.abs(x).max() + 1e-12)
    else:
        raise ValueError("scale must be 'unit' or 'box'")
    # W[r, j] = x[(j - r) % V]  (torch.roll(x, shifts=r) stacked over r)
    idx = (np.arange(V)[None, :] - np.arange(V)[:, None]) % V
    W = x[idx].astype(np.float32)
    return W


def _build_table(V, scale='box', seed=0):
    W = _make_weight(V, scale=scale, seed=seed)
    M = int(np.argmax(W[0]))
    pm = W[0, M]
    N = 1.0 / pm
    eye = np.roll(np.eye(V, dtype=np.float32), shift=M, axis=1) * N
    mixed = W + eye
    sigma = _welch_costas_perm(V)
    if sigma is None:
        sigma = _coprime_mul_perm(V)
    r_idx = _perm_inverse(sigma)
    mixed = mixed[r_idx]
    return mixed.astype(np.float32)


def setup_inputs(seed: int = 0) -> dict:
    key = jax.random.key(seed)
    V = 4096
    B, S = 2, 4096
    input_ids = jax.random.randint(jax.random.fold_in(key, 1), (B, S), 0, V, dtype=jnp.int32)
    table = jnp.asarray(_build_table(V, scale='box', seed=0), dtype=jnp.float32)
    return {"input_ids": input_ids, "table": table}


def reference(input_ids, table):
    # forward: frozen embedding lookup into the precomputed flat-spectrum table
    return jnp.take(table, input_ids, axis=0)

if __name__ == "__main__":
    import jax
    _d = setup_inputs()
    print(jax.jit(kernel)(*tuple(_d.values())))

</pallas_src>

<mosaic_0001>
#map = affine_map<(d0, d1) -> (0)>
#map1 = affine_map<(d0, d1) -> (0, 0)>
module attributes {stable_mosaic.version = 14 : i64} {
  func.func @body(%arg0: i32, %arg1: i32, %arg2: memref<8192xi32, #tpu.memory_space<hbm>>, %arg3: memref<4096x4096xf32, #tpu.memory_space<hbm>>, %arg4: memref<8192x4096xf32, #tpu.memory_space<hbm>>, %arg5: memref<256xi32, #tpu.memory_space<vmem>>, %arg6: memref<3x8x4096xf32, #tpu.memory_space<vmem>>, %arg7: memref<!tpu.dma_semaphore, #tpu.memory_space<semaphore_mem>>, %arg8: memref<!tpu.dma_semaphore, #tpu.memory_space<semaphore_mem>>, %arg9: memref<!tpu.dma_semaphore, #tpu.memory_space<semaphore_mem>>, %arg10: memref<!tpu.dma_semaphore, #tpu.memory_space<semaphore_mem>>, %arg11: memref<!tpu.dma_semaphore, #tpu.memory_space<semaphore_mem>>, %arg12: memref<!tpu.dma_semaphore, #tpu.memory_space<semaphore_mem>>) attributes {dimension_semantics = [#tpu.dimension_semantics<core_parallel>, #tpu.dimension_semantics<subcore_parallel>], iteration_bounds = array<i64: 2, 16>, scalar_prefetch = 0 : i64, scratch_operands = 8 : i64, tpu.core_type = #tpu.core_type<sc_vector_subcore>, window_params = [{transform_indices = #map}, {transform_indices = #map1}, {transform_indices = #map1}]} {
    %mul3A = arith.constant 2 : i32
    %mul3A_0 = arith.muli %arg1, %mul3A : i32
    %add3A = arith.addi %mul3A_0, %arg0 : i32
    %mul3A_1 = arith.constant 256 : i32
    %mul3A_2 = arith.muli %add3A, %mul3A_1 : i32
    "tpu.region"() ({
      %run_scoped3A = tpu.sem_alloc : memref<!tpu.dma_semaphore, #tpu.memory_space<semaphore_mem>>
      %dma_start3A_115 = tpu.memref_slice %arg2[%mul3A_2] : memref<8192xi32, #tpu.memory_space<hbm>> -> memref<256xi32, #tpu.memory_space<hbm>>
      %dma_start3A_116 = tpu.memref_slice %arg2[%mul3A_2] : memref<8192xi32, #tpu.memory_space<hbm>> -> memref<256xi32, #tpu.memory_space<hbm>>
      tpu.enqueue_dma source(%dma_start3A_116 : memref<256xi32, #tpu.memory_space<hbm>>) target(%arg5 : memref<256xi32, #tpu.memory_space<vmem>>) target_semaphore(%run_scoped3A : memref<!tpu.dma_semaphore, #tpu.memory_space<semaphore_mem>>)
      %dma_wait3A_117 = tpu.memref_slice %arg2[%mul3A_2] : memref<8192xi32, #tpu.memory_space<hbm>> -> memref<256xi32, #tpu.memory_space<hbm>>
      %dma_wait3A_118 = tpu.memref_slice %arg2[%mul3A_2] : memref<8192xi32, #tpu.memory_space<hbm>> -> memref<256xi32, #tpu.memory_space<hbm>>
      tpu.wait_dma2 semaphore(%run_scoped3A : memref<!tpu.dma_semaphore, #tpu.memory_space<semaphore_mem>>) src(%dma_wait3A_118 : memref<256xi32, #tpu.memory_space<hbm>>) dst(%arg5 : memref<256xi32, #tpu.memory_space<vmem>>)
      tpu.yield
    }) : () -> ()
    %multiple_of3A = arith.constant 0 : i32
    %multiple_of3A_3 = tpu.assume_multiple %multiple_of3A, 8 : i32
    %dma_start3A = arith.constant 0 : i32
    %dma_start3A_4 = arith.constant 0 : i32
    %dma_start3A_5 = arith.constant 0 : i32
    %dma_start3A_6 = tpu.memref_slice %arg6[%dma_start3A, %dma_start3A_4, %dma_start3A_5] : memref<3x8x4096xf32, #tpu.memory_space<vmem>> -> memref<1x8x4096xf32, #tpu.memory_space<vmem>>
    %dma_start3A_7 = tpu.memref_squeeze %dma_start3A_6 : memref<1x8x4096xf32, #tpu.memory_space<vmem>> -> memref<8x4096xf32, #tpu.memory_space<vmem>>
    %dma_start3A_8 = tpu.memref_slice %arg5[%multiple_of3A_3] : memref<256xi32, #tpu.memory_space<vmem>> -> memref<8xi32, #tpu.memory_space<vmem>>
    %dma_start3A_9 = arith.constant 0 : i32
    %dma_start3A_10 = arith.constant 0 : i32
    %dma_start3A_11 = tpu.memref_slice %arg3[%dma_start3A_9, %dma_start3A_10] : memref<4096x4096xf32, #tpu.memory_space<hbm>> -> memref<4096x4096xf32, #tpu.memory_space<hbm>>
    tpu.enqueue_indirect_dma source(%dma_start3A_11 : memref<4096x4096xf32, #tpu.memory_space<hbm>>) target(%dma_start3A_7 : memref<8x4096xf32, #tpu.memory_space<vmem>>) offsets(%dma_start3A_8 : memref<8xi32, #tpu.memory_space<vmem>>) semaphore(%arg7 : memref<!tpu.dma_semaphore, #tpu.memory_space<semaphore_mem>>)
    %multiple_of3A_12 = arith.constant 8 : i32
    %multiple_of3A_13 = tpu.assume_multiple %multiple_of3A_12, 8 : i32
    %dma_start3A_14 = arith.constant 1 : i32
    %dma_start3A_15 = arith.constant 0 : i32
    %dma_start3A_16 = arith.constant 0 : i32
    %dma_start3A_17 = tpu.memref_slice %arg6[%dma_start3A_14, %dma_start3A_15, %dma_start3A_16] : memref<3x8x4096xf32, #tpu.memory_space<vmem>> -> memref<1x8x4096xf32, #tpu.memory_space<vmem>>
    %dma_start3A_18 = tpu.memref_squeeze %dma_start3A_17 : memref<1x8x4096xf32, #tpu.memory_space<vmem>> -> memref<8x4096xf32, #tpu.memory_space<vmem>>
    %dma_start3A_19 = tpu.memref_slice %arg5[%multiple_of3A_13] : memref<256xi32, #tpu.memory_space<vmem>> -> memref<8xi32, #tpu.memory_space<vmem>>
    %dma_start3A_20 = arith.constant 0 : i32
    %dma_start3A_21 = arith.constant 0 : i32
    %dma_start3A_22 = tpu.memref_slice %arg3[%dma_start3A_20, %dma_start3A_21] : memref<4096x4096xf32, #tpu.memory_space<hbm>> -> memref<4096x4096xf32, #tpu.memory_space<hbm>>
    tpu.enqueue_indirect_dma source(%dma_start3A_22 : memref<4096x4096xf32, #tpu.memory_space<hbm>>) target(%dma_start3A_18 : memref<8x4096xf32, #tpu.memory_space<vmem>>) offsets(%dma_start3A_19 : memref<8xi32, #tpu.memory_space<vmem>>) semaphore(%arg8 : memref<!tpu.dma_semaphore, #tpu.memory_space<semaphore_mem>>)
    %scan3A = arith.constant 0 : i32
    %scan3A_23 = arith.constant 10 : i32
    %scan3A_24 = arith.addi %scan3A, %scan3A_23 : i32
    %scan3A_25 = arith.constant 1 : i32
    scf.for %scan3A_115 = %scan3A to %scan3A_24 step %scan3A_25  : i32 {
      %mul3A_116 = arith.constant 3 : i32
      %mul3A_117 = arith.muli %scan3A_115, %mul3A_116 : i32
      %add3A_118 = arith.constant 0 : i32
      %add3A_119 = arith.addi %add3A_118, %mul3A_117 : i32
      %add3A_120 = arith.constant 0 : i32
      %add3A_121 = arith.addi %add3A_119, %add3A_120 : i32
      %dma_wait3A_122 = arith.constant 0 : i32
      %dma_wait3A_123 = arith.constant 0 : i32
      %dma_wait3A_124 = arith.constant 0 : i32
      %dma_wait3A_125 = tpu.memref_slice %arg6[%dma_wait3A_122, %dma_wait3A_123, %dma_wait3A_124] : memref<3x8x4096xf32, #tpu.memory_space<vmem>> -> memref<1x8x4096xf32, #tpu.memory_space<vmem>>
      %dma_wait3A_126 = tpu.memref_squeeze %dma_wait3A_125 : memref<1x8x4096xf32, #tpu.memory_space<vmem>> -> memref<8x4096xf32, #tpu.memory_space<vmem>>
      %dma_wait3A_127 = arith.constant 0 : i32
      %dma_wait3A_128 = tpu.memref_slice %arg5[%dma_wait3A_127] : memref<256xi32, #tpu.memory_space<vmem>> -> memref<8xi32, #tpu.memory_space<vmem>>
      %dma_wait3A_129 = arith.constant 0 : i32
      %dma_wait3A_130 = arith.constant 0 : i32
      %dma_wait3A_131 = tpu.memref_slice %arg3[%dma_wait3A_129, %dma_wait3A_130] : memref<4096x4096xf32, #tpu.memory_space<hbm>> -> memref<4096x4096xf32, #tpu.memory_space<hbm>>
      tpu.wait_indirect_dma semaphore(%arg7 : memref<!tpu.dma_semaphore, #tpu.memory_space<semaphore_mem>>) src(%dma_wait3A_131 : memref<4096x4096xf32, #tpu.memory_space<hbm>>) dst(%dma_wait3A_126 : memref<8x4096xf32, #tpu.memory_space<vmem>>)
      %ge3A = arith.constant 1 : i32
      %ge3A_132 = arith.cmpi sge, %add3A_121, %ge3A : i32
      %convert_element_type3A = arith.extui %ge3A_132 : i1 to i32
      %cond3A = arith.constant 0 : i32
      %cond3A_133 = arith.cmpi ne, %convert_element_type3A, %cond3A : i32
      scf.if %cond3A_133 {
        %dma_wait3A_258 = arith.constant 2 : i32
        %dma_wait3A_259 = arith.constant 0 : i32
        %dma_wait3A_260 = arith.constant 0 : i32
        %dma_wait3A_261 = tpu.memref_slice %arg6[%dma_wait3A_258, %dma_wait3A_259, %dma_wait3A_260] : memref<3x8x4096xf32, #tpu.memory_space<vmem>> -> memref<1x8x4096xf32, #tpu.memory_space<vmem>>
        %dma_wait3A_262 = tpu.memref_squeeze %dma_wait3A_261 : memref<1x8x4096xf32, #tpu.memory_space<vmem>> -> memref<8x4096xf32, #tpu.memory_space<vmem>>
        %dma_wait3A_263 = arith.constant 0 : i32
        %dma_wait3A_264 = tpu.memref_slice %arg4[%mul3A_2, %dma_wait3A_263] : memref<8192x4096xf32, #tpu.memory_space<hbm>> -> memref<8x4096xf32, #tpu.memory_space<hbm>>
        %dma_wait3A_265 = arith.constant 0 : i32
        %dma_wait3A_266 = tpu.memref_slice %arg4[%mul3A_2, %dma_wait3A_265] : memref<8192x4096xf32, #tpu.memory_space<hbm>> -> memref<8x4096xf32, #tpu.memory_space<hbm>>
        %dma_wait3A_267 = arith.constant 0 : i32
        %dma_wait3A_268 = arith.constant 0 : i32
        %dma_wait3A_269 = tpu.memref_slice %arg6[%dma_wait3A_258, %dma_wait3A_267, %dma_wait3A_268] : memref<3x8x4096xf32, #tpu.memory_space<vmem>> -> memref<1x8x4096xf32, #tpu.memory_space<vmem>>
        %dma_wait3A_270 = tpu.memref_squeeze %dma_wait3A_269 : memref<1x8x4096xf32, #tpu.memory_space<vmem>> -> memref<8x4096xf32, #tpu.memory_space<vmem>>
        tpu.wait_dma2 semaphore(%arg12 : memref<!tpu.dma_semaphore, #tpu.memory_space<semaphore_mem>>) src(%dma_wait3A_270 : memref<8x4096xf32, #tpu.memory_space<vmem>>) dst(%dma_wait3A_266 : memref<8x4096xf32, #tpu.memory_space<hbm>>)
      } else {
      }
      %add3A_134 = arith.constant 2 : i32
      %add3A_135 = arith.addi %add3A_121, %add3A_134 : i32
      %mul3A_136 = arith.constant 8 : i32
      %mul3A_137 = arith.muli %add3A_135, %mul3A_136 : i32
      %multiple_of3A_138 = tpu.assume_multiple %mul3A_137, 8 : i32
      %dma_start3A_139 = arith.constant 2 : i32
      %dma_start3A_140 = arith.constant 0 : i32
      %dma_start3A_141 = arith.constant 0 : i32
      %dma_start3A_142 = tpu.memref_slice %arg6[%dma_start3A_139, %dma_start3A_140, %dma_start3A_141] : memref<3x8x4096xf32, #tpu.memory_space<vmem>> -> memref<1x8x4096xf32, #tpu.memory_space<vmem>>
      %dma_start3A_143 = tpu.memref_squeeze %dma_start3A_142 : memref<1x8x4096xf32, #tpu.memory_space<vmem>> -> memref<8x4096xf32, #tpu.memory_space<vmem>>
      %dma_start3A_144 = tpu.memref_slice %arg5[%multiple_of3A_138] : memref<256xi32, #tpu.memory_space<vmem>> -> memref<8xi32, #tpu.memory_space<vmem>>
      %dma_start3A_145 = arith.constant 0 : i32
      %dma_start3A_146 = arith.constant 0 : i32
      %dma_start3A_147 = tpu.memref_slice %arg3[%dma_start3A_145, %dma_start3A_146] : memref<4096x4096xf32, #tpu.memory_space<hbm>> -> memref<4096x4096xf32, #tpu.memory_space<hbm>>
      tpu.enqueue_indirect_dma source(%dma_start3A_147 : memref<4096x4096xf32, #tpu.memory_space<hbm>>) target(%dma_start3A_143 : memref<8x4096xf32, #tpu.memory_space<vmem>>) offsets(%dma_start3A_144 : memref<8xi32, #tpu.memory_space<vmem>>) semaphore(%arg9 : memref<!tpu.dma_semaphore, #tpu.memory_space<semaphore_mem>>)
      %mul3A_148 = arith.constant 8 : i32
      %mul3A_149 = arith.muli %add3A_121, %mul3A_148 : i32
      %add3A_150 = arith.addi %mul3A_2, %mul3A_149 : i32
      %dma_start3A_151 = arith.constant 0 : i32
      %dma_start3A_152 = arith.constant 0 : i32
      %dma_start3A_153 = arith.constant 0 : i32
      %dma_start3A_154 = tpu.memref_slice %arg6[%dma_start3A_151, %dma_start3A_152, %dma_start3A_153] : memref<3x8x4096xf32, #tpu.memory_space<vmem>> -> memref<1x8x4096xf32, #tpu.memory_space<vmem>>
      %dma_start3A_155 = tpu.memref_squeeze %dma_start3A_154 : memref<1x8x4096xf32, #tpu.memory_space<vmem>> -> memref<8x4096xf32, #tpu.memory_space<vmem>>
      %dma_start3A_156 = arith.constant 0 : i32
      %dma_start3A_157 = tpu.memref_slice %arg4[%add3A_150, %dma_start3A_156] : memref<8192x4096xf32, #tpu.memory_space<hbm>> -> memref<8x4096xf32, #tpu.memory_space<hbm>>
      %dma_start3A_158 = arith.constant 0 : i32
      %dma_start3A_159 = tpu.memref_slice %arg4[%add3A_150, %dma_start3A_158] : memref<8192x4096xf32, #tpu.memory_space<hbm>> -> memref<8x4096xf32, #tpu.memory_space<hbm>>
      %dma_start3A_160 = arith.constant 0 : i32
      %dma_start3A_161 = arith.constant 0 : i32
      %dma_start3A_162 = tpu.memref_slice %arg6[%dma_start3A_151, %dma_start3A_160, %dma_start3A_161] : memref<3x8x4096xf32, #tpu.memory_space<vmem>> -> memref<1x8x4096xf32, #tpu.memory_space<vmem>>
      %dma_start3A_163 = tpu.memref_squeeze %dma_start3A_162 : memref<1x8x4096xf32, #tpu.memory_space<vmem>> -> memref<8x4096xf32, #tpu.memory_space<vmem>>
      tpu.enqueue_dma source(%dma_start3A_163 : memref<8x4096xf32, #tpu.memory_space<vmem>>) target(%dma_start3A_159 : memref<8x4096xf32, #tpu.memory_space<hbm>>) target_semaphore(%arg10 : memref<!tpu.dma_semaphore, #tpu.memory_space<semaphore_mem>>)
      %add3A_164 = arith.constant 1 : i32
      %add3A_165 = arith.addi %add3A_119, %add3A_164 : i32
      %dma_wait3A_166 = arith.constant 1 : i32
      %dma_wait3A_167 = arith.constant 0 : i32
      %dma_wait3A_168 = arith.constant 0 : i32
      %dma_wait3A_169 = tpu.memref_slice %arg6[%dma_wait3A_166, %dma_wait3A_167, %dma_wait3A_168] : memref<3x8x4096xf32, #tpu.memory_space<vmem>> -> memref<1x8x4096xf32, #tpu.memory_space<vmem>>
      %dma_wait3A_170 = tpu.memref_squeeze %dma_wait3A_169 : memref<1x8x4096xf32, #tpu.memory_space<vmem>> -> memref<8x4096xf32, #tpu.memory_space<vmem>>
      %dma_wait3A_171 = arith.constant 0 : i32
      %dma_wait3A_172 = tpu.memref_slice %arg5[%dma_wait3A_171] : memref<256xi32, #tpu.memory_space<vmem>> -> memref<8xi32, #tpu.memory_space<vmem>>
      %dma_wait3A_173 = arith.constant 0 : i32
      %dma_wait3A_174 = arith.constant 0 : i32
      %dma_wait3A_175 = tpu.memref_slice %arg3[%dma_wait3A_173, %dma_wait3A_174] : memref<4096x4096xf32, #tpu.memory_space<hbm>> -> memref<4096x4096xf32, #tpu.memory_space<hbm>>
      tpu.wait_indirect_dma semaphore(%arg8 : memref<!tpu.dma_semaphore, #tpu.memory_space<semaphore_mem>>) src(%dma_wait3A_175 : memref<4096x4096xf32, #tpu.memory_space<hbm>>) dst(%dma_wait3A_170 : memref<8x4096xf32, #tpu.memory_space<vmem>>)
      %ge3A_176 = arith.constant 1 : i32
      %ge3A_177 = arith.cmpi sge, %add3A_165, %ge3A_176 : i32
      %convert_element_type3A_178 = arith.extui %ge3A_177 : i1 to i32
      %cond3A_179 = arith.constant 0 : i32
      %cond3A_180 = arith.cmpi ne, %convert_element_type3A_178, %cond3A_179 : i32
      scf.if %cond3A_180 {
        %dma_wait3A_258 = arith.constant 0 : i32
        %dma_wait3A_259 = arith.constant 0 : i32
        %dma_wait3A_260 = arith.constant 0 : i32
        %dma_wait3A_261 = tpu.memref_slice %arg6[%dma_wait3A_258, %dma_wait3A_259, %dma_wait3A_260] : memref<3x8x4096xf32, #tpu.memory_space<vmem>> -> memref<1x8x4096xf32, #tpu.memory_space<vmem>>
        %dma_wait3A_262 = tpu.memref_squeeze %dma_wait3A_261 : memref<1x8x4096xf32, #tpu.memory_space<vmem>> -> memref<8x4096xf32, #tpu.memory_space<vmem>>
        %dma_wait3A_263 = arith.constant 0 : i32
        %dma_wait3A_264 = tpu.memref_slice %arg4[%mul3A_2, %dma_wait3A_263] : memref<8192x4096xf32, #tpu.memory_space<hbm>> -> memref<8x4096xf32, #tpu.memory_space<hbm>>
        %dma_wait3A_265 = arith.constant 0 : i32
        %dma_wait3A_266 = tpu.memref_slice %arg4[%mul3A_2, %dma_wait3A_265] : memref<8192x4096xf32, #tpu.memory_space<hbm>> -> memref<8x4096xf32, #tpu.memory_space<hbm>>
        %dma_wait3A_267 = arith.constant 0 : i32
        %dma_wait3A_268 = arith.constant 0 : i32
        %dma_wait3A_269 = tpu.memref_slice %arg6[%dma_wait3A_258, %dma_wait3A_267, %dma_wait3A_268] : memref<3x8x4096xf32, #tpu.memory_space<vmem>> -> memref<1x8x4096xf32, #tpu.memory_space<vmem>>
        %dma_wait3A_270 = tpu.memref_squeeze %dma_wait3A_269 : memref<1x8x4096xf32, #tpu.memory_space<vmem>> -> memref<8x4096xf32, #tpu.memory_space<vmem>>
        tpu.wait_dma2 semaphore(%arg10 : memref<!tpu.dma_semaphore, #tpu.memory_space<semaphore_mem>>) src(%dma_wait3A_270 : memref<8x4096xf32, #tpu.memory_space<vmem>>) dst(%dma_wait3A_266 : memref<8x4096xf32, #tpu.memory_space<hbm>>)
      } else {
      }
      %add3A_181 = arith.constant 2 : i32
      %add3A_182 = arith.addi %add3A_165, %add3A_181 : i32
      %mul3A_183 = arith.constant 8 : i32
      %mul3A_184 = arith.muli %add3A_182, %mul3A_183 : i32
      %multiple_of3A_185 = tpu.assume_multiple %mul3A_184, 8 : i32
      %dma_start3A_186 = arith.constant 0 : i32
      %dma_start3A_187 = arith.constant 0 : i32
      %dma_start3A_188 = arith.constant 0 : i32
      %dma_start3A_189 = tpu.memref_slice %arg6[%dma_start3A_186, %dma_start3A_187, %dma_start3A_188] : memref<3x8x4096xf32, #tpu.memory_space<vmem>> -> memref<1x8x4096xf32, #tpu.memory_space<vmem>>
      %dma_start3A_190 = tpu.memref_squeeze %dma_start3A_189 : memref<1x8x4096xf32, #tpu.memory_space<vmem>> -> memref<8x4096xf32, #tpu.memory_space<vmem>>
      %dma_start3A_191 = tpu.memref_slice %arg5[%multiple_of3A_185] : memref<256xi32, #tpu.memory_space<vmem>> -> memref<8xi32, #tpu.memory_space<vmem>>
      %dma_start3A_192 = arith.constant 0 : i32
      %dma_start3A_193 = arith.constant 0 : i32
      %dma_start3A_194 = tpu.memref_slice %arg3[%dma_start3A_192, %dma_start3A_193] : memref<4096x4096xf32, #tpu.memory_space<hbm>> -> memref<4096x4096xf32, #tpu.memory_space<hbm>>
      tpu.enqueue_indirect_dma source(%dma_start3A_194 : memref<4096x4096xf32, #tpu.memory_space<hbm>>) target(%dma_start3A_190 : memref<8x4096xf32, #tpu.memory_space<vmem>>) offsets(%dma_start3A_191 : memref<8xi32, #tpu.memory_space<vmem>>) semaphore(%arg7 : memref<!tpu.dma_semaphore, #tpu.memory_space<semaphore_mem>>)
      %mul3A_195 = arith.constant 8 : i32
      %mul3A_196 = arith.muli %add3A_165, %mul3A_195 : i32
      %add3A_197 = arith.addi %mul3A_2, %mul3A_196 : i32
      %dma_start3A_198 = arith.constant 1 : i32
      %dma_start3A_199 = arith.constant 0 : i32
      %dma_start3A_200 = arith.constant 0 : i32
      %dma_start3A_201 = tpu.memref_slice %arg6[%dma_start3A_198, %dma_start3A_199, %dma_start3A_200] : memref<3x8x4096xf32, #tpu.memory_space<vmem>> -> memref<1x8x4096xf32, #tpu.memory_space<vmem>>
      %dma_start3A_202 = tpu.memref_squeeze %dma_start3A_201 : memref<1x8x4096xf32, #tpu.memory_space<vmem>> -> memref<8x4096xf32, #tpu.memory_space<vmem>>
      %dma_start3A_203 = arith.constant 0 : i32
      %dma_start3A_204 = tpu.memref_slice %arg4[%add3A_197, %dma_start3A_203] : memref<8192x4096xf32, #tpu.memory_space<hbm>> -> memref<8x4096xf32, #tpu.memory_space<hbm>>
      %dma_start3A_205 = arith.constant 0 : i32
      %dma_start3A_206 = tpu.memref_slice %arg4[%add3A_197, %dma_start3A_205] : memref<8192x4096xf32, #tpu.memory_space<hbm>> -> memref<8x4096xf32, #tpu.memory_space<hbm>>
      %dma_start3A_207 = arith.constant 0 : i32
      %dma_start3A_208 = arith.constant 0 : i32
      %dma_start3A_209 = tpu.memref_slice %arg6[%dma_start3A_198, %dma_start3A_207, %dma_start3A_208] : memref<3x8x4096xf32, #tpu.memory_space<vmem>> -> memref<1x8x4096xf32, #tpu.memory_space<vmem>>
      %dma_start3A_210 = tpu.memref_squeeze %dma_start3A_209 : memref<1x8x4096xf32, #tpu.memory_space<vmem>> -> memref<8x4096xf32, #tpu.memory_space<vmem>>
      tpu.enqueue_dma source(%dma_start3A_210 : memref<8x4096xf32, #tpu.memory_space<vmem>>) target(%dma_start3A_206 : memref<8x4096xf32, #tpu.memory_space<hbm>>) target_semaphore(%arg11 : memref<!tpu.dma_semaphore, #tpu.memory_space<semaphore_mem>>)
      %add3A_211 = arith.constant 2 : i32
      %add3A_212 = arith.addi %add3A_119, %add3A_211 : i32
      %dma_wait3A_213 = arith.constant 2 : i32
      %dma_wait3A_214 = arith.constant 0 : i32
      %dma_wait3A_215 = arith.constant 0 : i32
      %dma_wait3A_216 = tpu.memref_slice %arg6[%dma_wait3A_213, %dma_wait3A_214, %dma_wait3A_215] : memref<3x8x4096xf32, #tpu.memory_space<vmem>> -> memref<1x8x4096xf32, #tpu.memory_space<vmem>>
      %dma_wait3A_217 = tpu.memref_squeeze %dma_wait3A_216 : memref<1x8x4096xf32, #tpu.memory_space<vmem>> -> memref<8x4096xf32, #tpu.memory_space<vmem>>
      %dma_wait3A_218 = arith.constant 0 : i32
      %dma_wait3A_219 = tpu.memref_slice %arg5[%dma_wait3A_218] : memref<256xi32, #tpu.memory_space<vmem>> -> memref<8xi32, #tpu.memory_space<vmem>>
      %dma_wait3A_220 = arith.constant 0 : i32
      %dma_wait3A_221 = arith.constant 0 : i32
      %dma_wait3A_222 = tpu.memref_slice %arg3[%dma_wait3A_220, %dma_wait3A_221] : memref<4096x4096xf32, #tpu.memory_space<hbm>> -> memref<4096x4096xf32, #tpu.memory_space<hbm>>
      tpu.wait_indirect_dma semaphore(%arg9 : memref<!tpu.dma_semaphore, #tpu.memory_space<semaphore_mem>>) src(%dma_wait3A_222 : memref<4096x4096xf32, #tpu.memory_space<hbm>>) dst(%dma_wait3A_217 : memref<8x4096xf32, #tpu.memory_space<vmem>>)
      %ge3A_223 = arith.constant 1 : i32
      %ge3A_224 = arith.cmpi sge, %add3A_212, %ge3A_223 : i32
      %convert_element_type3A_225 = arith.extui %ge3A_224 : i1 to i32
      %cond3A_226 = arith.constant 0 : i32
      %cond3A_227 = arith.cmpi ne, %convert_element_type3A_225, %cond3A_226 : i32
      scf.if %cond3A_227 {
        %dma_wait3A_258 = arith.constant 1 : i32
        %dma_wait3A_259 = arith.constant 0 : i32
        %dma_wait3A_260 = arith.constant 0 : i32
        %dma_wait3A_261 = tpu.memref_slice %arg6[%dma_wait3A_258, %dma_wait3A_259, %dma_wait3A_260] : memref<3x8x4096xf32, #tpu.memory_space<vmem>> -> memref<1x8x4096xf32, #tpu.memory_space<vmem>>
        %dma_wait3A_262 = tpu.memref_squeeze %dma_wait3A_261 : memref<1x8x4096xf32, #tpu.memory_space<vmem>> -> memref<8x4096xf32, #tpu.memory_space<vmem>>
        %dma_wait3A_263 = arith.constant 0 : i32
        %dma_wait3A_264 = tpu.memref_slice %arg4[%mul3A_2, %dma_wait3A_263] : memref<8192x4096xf32, #tpu.memory_space<hbm>> -> memref<8x4096xf32, #tpu.memory_space<hbm>>
        %dma_wait3A_265 = arith.constant 0 : i32
        %dma_wait3A_266 = tpu.memref_slice %arg4[%mul3A_2, %dma_wait3A_265] : memref<8192x4096xf32, #tpu.memory_space<hbm>> -> memref<8x4096xf32, #tpu.memory_space<hbm>>
        %dma_wait3A_267 = arith.constant 0 : i32
        %dma_wait3A_268 = arith.constant 0 : i32
        %dma_wait3A_269 = tpu.memref_slice %arg6[%dma_wait3A_258, %dma_wait3A_267, %dma_wait3A_268] : memref<3x8x4096xf32, #tpu.memory_space<vmem>> -> memref<1x8x4096xf32, #tpu.memory_space<vmem>>
        %dma_wait3A_270 = tpu.memref_squeeze %dma_wait3A_269 : memref<1x8x4096xf32, #tpu.memory_space<vmem>> -> memref<8x4096xf32, #tpu.memory_space<vmem>>
        tpu.wait_dma2 semaphore(%arg11 : memref<!tpu.dma_semaphore, #tpu.memory_space<semaphore_mem>>) src(%dma_wait3A_270 : memref<8x4096xf32, #tpu.memory_space<vmem>>) dst(%dma_wait3A_266 : memref<8x4096xf32, #tpu.memory_space<hbm>>)
      } else {
      }
      %add3A_228 = arith.constant 2 : i32
      %add3A_229 = arith.addi %add3A_212, %add3A_228 : i32
      %mul3A_230 = arith.constant 8 : i32
      %mul3A_231 = arith.muli %add3A_229, %mul3A_230 : i32
      %multiple_of3A_232 = tpu.assume_multiple %mul3A_231, 8 : i32
      %dma_start3A_233 = arith.constant 1 : i32
      %dma_start3A_234 = arith.constant 0 : i32
      %dma_start3A_235 = arith.constant 0 : i32
      %dma_start3A_236 = tpu.memref_slice %arg6[%dma_start3A_233, %dma_start3A_234, %dma_start3A_235] : memref<3x8x4096xf32, #tpu.memory_space<vmem>> -> memref<1x8x4096xf32, #tpu.memory_space<vmem>>
      %dma_start3A_237 = tpu.memref_squeeze %dma_start3A_236 : memref<1x8x4096xf32, #tpu.memory_space<vmem>> -> memref<8x4096xf32, #tpu.memory_space<vmem>>
      %dma_start3A_238 = tpu.memref_slice %arg5[%multiple_of3A_232] : memref<256xi32, #tpu.memory_space<vmem>> -> memref<8xi32, #tpu.memory_space<vmem>>
      %dma_start3A_239 = arith.constant 0 : i32
      %dma_start3A_240 = arith.constant 0 : i32
      %dma_start3A_241 = tpu.memref_slice %arg3[%dma_start3A_239, %dma_start3A_240] : memref<4096x4096xf32, #tpu.memory_space<hbm>> -> memref<4096x4096xf32, #tpu.memory_space<hbm>>
      tpu.enqueue_indirect_dma source(%dma_start3A_241 : memref<4096x4096xf32, #tpu.memory_space<hbm>>) target(%dma_start3A_237 : memref<8x4096xf32, #tpu.memory_space<vmem>>) offsets(%dma_start3A_238 : memref<8xi32, #tpu.memory_space<vmem>>) semaphore(%arg8 : memref<!tpu.dma_semaphore, #tpu.memory_space<semaphore_mem>>)
      %mul3A_242 = arith.constant 8 : i32
      %mul3A_243 = arith.muli %add3A_212, %mul3A_242 : i32
      %add3A_244 = arith.addi %mul3A_2, %mul3A_243 : i32
      %dma_start3A_245 = arith.constant 2 : i32
      %dma_start3A_246 = arith.constant 0 : i32
      %dma_start3A_247 = arith.constant 0 : i32
      %dma_start3A_248 = tpu.memref_slice %arg6[%dma_start3A_245, %dma_start3A_246, %dma_start3A_247] : memref<3x8x4096xf32, #tpu.memory_space<vmem>> -> memref<1x8x4096xf32, #tpu.memory_space<vmem>>
      %dma_start3A_249 = tpu.memref_squeeze %dma_start3A_248 : memref<1x8x4096xf32, #tpu.memory_space<vmem>> -> memref<8x4096xf32, #tpu.memory_space<vmem>>
      %dma_start3A_250 = arith.constant 0 : i32
      %dma_start3A_251 = tpu.memref_slice %arg4[%add3A_244, %dma_start3A_250] : memref<8192x4096xf32, #tpu.memory_space<hbm>> -> memref<8x4096xf32, #tpu.memory_space<hbm>>
      %dma_start3A_252 = arith.constant 0 : i32
      %dma_start3A_253 = tpu.memref_slice %arg4[%add3A_244, %dma_start3A_252] : memref<8192x4096xf32, #tpu.memory_space<hbm>> -> memref<8x4096xf32, #tpu.memory_space<hbm>>
      %dma_start3A_254 = arith.constant 0 : i32
      %dma_start3A_255 = arith.constant 0 : i32
      %dma_start3A_256 = tpu.memref_slice %arg6[%dma_start3A_245, %dma_start3A_254, %dma_start3A_255] : memref<3x8x4096xf32, #tpu.memory_space<vmem>> -> memref<1x8x4096xf32, #tpu.memory_space<vmem>>
      %dma_start3A_257 = tpu.memref_squeeze %dma_start3A_256 : memref<1x8x4096xf32, #tpu.memory_space<vmem>> -> memref<8x4096xf32, #tpu.memory_space<vmem>>
      tpu.enqueue_dma source(%dma_start3A_257 : memref<8x4096xf32, #tpu.memory_space<vmem>>) target(%dma_start3A_253 : memref<8x4096xf32, #tpu.memory_space<hbm>>) target_semaphore(%arg12 : memref<!tpu.dma_semaphore, #tpu.memory_space<semaphore_mem>>)
    }
    %scan3A_26 = arith.constant 10 : i32
    %dma_wait3A = arith.constant 0 : i32
    %dma_wait3A_27 = arith.constant 0 : i32
    %dma_wait3A_28 = arith.constant 0 : i32
    %dma_wait3A_29 = tpu.memref_slice %arg6[%dma_wait3A, %dma_wait3A_27, %dma_wait3A_28] : memref<3x8x4096xf32, #tpu.memory_space<vmem>> -> memref<1x8x4096xf32, #tpu.memory_space<vmem>>
    %dma_wait3A_30 = tpu.memref_squeeze %dma_wait3A_29 : memref<1x8x4096xf32, #tpu.memory_space<vmem>> -> memref<8x4096xf32, #tpu.memory_space<vmem>>
    %dma_wait3A_31 = arith.constant 0 : i32
    %dma_wait3A_32 = tpu.memref_slice %arg5[%dma_wait3A_31] : memref<256xi32, #tpu.memory_space<vmem>> -> memref<8xi32, #tpu.memory_space<vmem>>
    %dma_wait3A_33 = arith.constant 0 : i32
    %dma_wait3A_34 = arith.constant 0 : i32
    %dma_wait3A_35 = tpu.memref_slice %arg3[%dma_wait3A_33, %dma_wait3A_34] : memref<4096x4096xf32, #tpu.memory_space<hbm>> -> memref<4096x4096xf32, #tpu.memory_space<hbm>>
    tpu.wait_indirect_dma semaphore(%arg7 : memref<!tpu.dma_semaphore, #tpu.memory_space<semaphore_mem>>) src(%dma_wait3A_35 : memref<4096x4096xf32, #tpu.memory_space<hbm>>) dst(%dma_wait3A_30 : memref<8x4096xf32, #tpu.memory_space<vmem>>)
    %add3A_36 = arith.constant 240 : i32
    %add3A_37 = arith.addi %mul3A_2, %add3A_36 : i32
    %dma_start3A_38 = arith.constant 0 : i32
    %dma_start3A_39 = arith.constant 0 : i32
    %dma_start3A_40 = arith.constant 0 : i32
    %dma_start3A_41 = tpu.memref_slice %arg6[%dma_start3A_38, %dma_start3A_39, %dma_start3A_40] : memref<3x8x4096xf32, #tpu.memory_space<vmem>> -> memref<1x8x4096xf32, #tpu.memory_space<vmem>>
    %dma_start3A_42 = tpu.memref_squeeze %dma_start3A_41 : memref<1x8x4096xf32, #tpu.memory_space<vmem>> -> memref<8x4096xf32, #tpu.memory_space<vmem>>
    %dma_start3A_43 = arith.constant 0 : i32
    %dma_start3A_44 = tpu.memref_slice %arg4[%add3A_37, %dma_start3A_43] : memref<8192x4096xf32, #tpu.memory_space<hbm>> -> memref<8x4096xf32, #tpu.memory_space<hbm>>
    %dma_start3A_45 = arith.constant 0 : i32
    %dma_start3A_46 = tpu.memref_slice %arg4[%add3A_37, %dma_start3A_45] : memref<8192x4096xf32, #tpu.memory_space<hbm>> -> memref<8x4096xf32, #tpu.memory_space<hbm>>
    %dma_start3A_47 = arith.constant 0 : i32
    %dma_start3A_48 = arith.constant 0 : i32
    %dma_start3A_49 = tpu.memref_slice %arg6[%dma_start3A_38, %dma_start3A_47, %dma_start3A_48] : memref<3x8x4096xf32, #tpu.memory_space<vmem>> -> memref<1x8x4096xf32, #tpu.memory_space<vmem>>
    %dma_start3A_50 = tpu.memref_squeeze %dma_start3A_49 : memref<1x8x4096xf32, #tpu.memory_space<vmem>> -> memref<8x4096xf32, #tpu.memory_space<vmem>>
    tpu.enqueue_dma source(%dma_start3A_50 : memref<8x4096xf32, #tpu.memory_space<vmem>>) target(%dma_start3A_46 : memref<8x4096xf32, #tpu.memory_space<hbm>>) target_semaphore(%arg10 : memref<!tpu.dma_semaphore, #tpu.memory_space<semaphore_mem>>)
    %dma_wait3A_51 = arith.constant 1 : i32
    %dma_wait3A_52 = arith.constant 0 : i32
    %dma_wait3A_53 = arith.constant 0 : i32
    %dma_wait3A_54 = tpu.memref_slice %arg6[%dma_wait3A_51, %dma_wait3A_52, %dma_wait3A_53] : memref<3x8x4096xf32, #tpu.memory_space<vmem>> -> memref<1x8x4096xf32, #tpu.memory_space<vmem>>
    %dma_wait3A_55 = tpu.memref_squeeze %dma_wait3A_54 : memref<1x8x4096xf32, #tpu.memory_space<vmem>> -> memref<8x4096xf32, #tpu.memory_space<vmem>>
    %dma_wait3A_56 = arith.constant 0 : i32
    %dma_wait3A_57 = tpu.memref_slice %arg5[%dma_wait3A_56] : memref<256xi32, #tpu.memory_space<vmem>> -> memref<8xi32, #tpu.memory_space<vmem>>
    %dma_wait3A_58 = arith.constant 0 : i32
    %dma_wait3A_59 = arith.constant 0 : i32
    %dma_wait3A_60 = tpu.memref_slice %arg3[%dma_wait3A_58, %dma_wait3A_59] : memref<4096x4096xf32, #tpu.memory_space<hbm>> -> memref<4096x4096xf32, #tpu.memory_space<hbm>>
    tpu.wait_indirect_dma semaphore(%arg8 : memref<!tpu.dma_semaphore, #tpu.memory_space<semaphore_mem>>) src(%dma_wait3A_60 : memref<4096x4096xf32, #tpu.memory_space<hbm>>) dst(%dma_wait3A_55 : memref<8x4096xf32, #tpu.memory_space<vmem>>)
    %add3A_61 = arith.constant 248 : i32
    %add3A_62 = arith.addi %mul3A_2, %add3A_61 : i32
    %dma_start3A_63 = arith.constant 1 : i32
    %dma_start3A_64 = arith.constant 0 : i32
    %dma_start3A_65 = arith.constant 0 : i32
    %dma_start3A_66 = tpu.memref_slice %arg6[%dma_start3A_63, %dma_start3A_64, %dma_start3A_65] : memref<3x8x4096xf32, #tpu.memory_space<vmem>> -> memref<1x8x4096xf32, #tpu.memory_space<vmem>>
    %dma_start3A_67 = tpu.memref_squeeze %dma_start3A_66 : memref<1x8x4096xf32, #tpu.memory_space<vmem>> -> memref<8x4096xf32, #tpu.memory_space<vmem>>
    %dma_start3A_68 = arith.constant 0 : i32
    %dma_start3A_69 = tpu.memref_slice %arg4[%add3A_62, %dma_start3A_68] : memref<8192x4096xf32, #tpu.memory_space<hbm>> -> memref<8x4096xf32, #tpu.memory_space<hbm>>
    %dma_start3A_70 = arith.constant 0 : i32
    %dma_start3A_71 = tpu.memref_slice %arg4[%add3A_62, %dma_start3A_70] : memref<8192x4096xf32, #tpu.memory_space<hbm>> -> memref<8x4096xf32, #tpu.memory_space<hbm>>
    %dma_start3A_72 = arith.constant 0 : i32
    %dma_start3A_73 = arith.constant 0 : i32
    %dma_start3A_74 = tpu.memref_slice %arg6[%dma_start3A_63, %dma_start3A_72, %dma_start3A_73] : memref<3x8x4096xf32, #tpu.memory_space<vmem>> -> memref<1x8x4096xf32, #tpu.memory_space<vmem>>
    %dma_start3A_75 = tpu.memref_squeeze %dma_start3A_74 : memref<1x8x4096xf32, #tpu.memory_space<vmem>> -> memref<8x4096xf32, #tpu.memory_space<vmem>>
    tpu.enqueue_dma source(%dma_start3A_75 : memref<8x4096xf32, #tpu.memory_space<vmem>>) target(%dma_start3A_71 : memref<8x4096xf32, #tpu.memory_space<hbm>>) target_semaphore(%arg11 : memref<!tpu.dma_semaphore, #tpu.memory_space<semaphore_mem>>)
    %dma_wait3A_76 = arith.constant 2 : i32
    %dma_wait3A_77 = arith.constant 0 : i32
    %dma_wait3A_78 = arith.constant 0 : i32
    %dma_wait3A_79 = tpu.memref_slice %arg6[%dma_wait3A_76, %dma_wait3A_77, %dma_wait3A_78] : memref<3x8x4096xf32, #tpu.memory_space<vmem>> -> memref<1x8x4096xf32, #tpu.memory_space<vmem>>
    %dma_wait3A_80 = tpu.memref_squeeze %dma_wait3A_79 : memref<1x8x4096xf32, #tpu.memory_space<vmem>> -> memref<8x4096xf32, #tpu.memory_space<vmem>>
    %dma_wait3A_81 = arith.constant 0 : i32
    %dma_wait3A_82 = tpu.memref_slice %arg4[%mul3A_2, %dma_wait3A_81] : memref<8192x4096xf32, #tpu.memory_space<hbm>> -> memref<8x4096xf32, #tpu.memory_space<hbm>>
    %dma_wait3A_83 = arith.constant 0 : i32
    %dma_wait3A_84 = tpu.memref_slice %arg4[%mul3A_2, %dma_wait3A_83] : memref<8192x4096xf32, #tpu.memory_space<hbm>> -> memref<8x4096xf32, #tpu.memory_space<hbm>>
    %dma_wait3A_85 = arith.constant 0 : i32
    %dma_wait3A_86 = arith.constant 0 : i32
    %dma_wait3A_87 = tpu.memref_slice %arg6[%dma_wait3A_76, %dma_wait3A_85, %dma_wait3A_86] : memref<3x8x4096xf32, #tpu.memory_space<vmem>> -> memref<1x8x4096xf32, #tpu.memory_space<vmem>>
    %dma_wait3A_88 = tpu.memref_squeeze %dma_wait3A_87 : memref<1x8x4096xf32, #tpu.memory_space<vmem>> -> memref<8x4096xf32, #tpu.memory_space<vmem>>
    tpu.wait_dma2 semaphore(%arg12 : memref<!tpu.dma_semaphore, #tpu.memory_space<semaphore_mem>>) src(%dma_wait3A_88 : memref<8x4096xf32, #tpu.memory_space<vmem>>) dst(%dma_wait3A_84 : memref<8x4096xf32, #tpu.memory_space<hbm>>)
    %dma_wait3A_89 = arith.constant 0 : i32
    %dma_wait3A_90 = arith.constant 0 : i32
    %dma_wait3A_91 = arith.constant 0 : i32
    %dma_wait3A_92 = tpu.memref_slice %arg6[%dma_wait3A_89, %dma_wait3A_90, %dma_wait3A_91] : memref<3x8x4096xf32, #tpu.memory_space<vmem>> -> memref<1x8x4096xf32, #tpu.memory_space<vmem>>
    %dma_wait3A_93 = tpu.memref_squeeze %dma_wait3A_92 : memref<1x8x4096xf32, #tpu.memory_space<vmem>> -> memref<8x4096xf32, #tpu.memory_space<vmem>>
    %dma_wait3A_94 = arith.constant 0 : i32
    %dma_wait3A_95 = tpu.memref_slice %arg4[%mul3A_2, %dma_wait3A_94] : memref<8192x4096xf32, #tpu.memory_space<hbm>> -> memref<8x4096xf32, #tpu.memory_space<hbm>>
    %dma_wait3A_96 = arith.constant 0 : i32
    %dma_wait3A_97 = tpu.memref_slice %arg4[%mul3A_2, %dma_wait3A_96] : memref<8192x4096xf32, #tpu.memory_space<hbm>> -> memref<8x4096xf32, #tpu.memory_space<hbm>>
    %dma_wait3A_98 = arith.constant 0 : i32
    %dma_wait3A_99 = arith.constant 0 : i32
    %dma_wait3A_100 = tpu.memref_slice %arg6[%dma_wait3A_89, %dma_wait3A_98, %dma_wait3A_99] : memref<3x8x4096xf32, #tpu.memory_space<vmem>> -> memref<1x8x4096xf32, #tpu.memory_space<vmem>>
    %dma_wait3A_101 = tpu.memref_squeeze %dma_wait3A_100 : memref<1x8x4096xf32, #tpu.memory_space<vmem>> -> memref<8x4096xf32, #tpu.memory_space<vmem>>
    tpu.wait_dma2 semaphore(%arg10 : memref<!tpu.dma_semaphore, #tpu.memory_space<semaphore_mem>>) src(%dma_wait3A_101 : memref<8x4096xf32, #tpu.memory_space<vmem>>) dst(%dma_wait3A_97 : memref<8x4096xf32, #tpu.memory_space<hbm>>)
    %dma_wait3A_102 = arith.constant 1 : i32
    %dma_wait3A_103 = arith.constant 0 : i32
    %dma_wait3A_104 = arith.constant 0 : i32
    %dma_wait3A_105 = tpu.memref_slice %arg6[%dma_wait3A_102, %dma_wait3A_103, %dma_wait3A_104] : memref<3x8x4096xf32, #tpu.memory_space<vmem>> -> memref<1x8x4096xf32, #tpu.memory_space<vmem>>
    %dma_wait3A_106 = tpu.memref_squeeze %dma_wait3A_105 : memref<1x8x4096xf32, #tpu.memory_space<vmem>> -> memref<8x4096xf32, #tpu.memory_space<vmem>>
    %dma_wait3A_107 = arith.constant 0 : i32
    %dma_wait3A_108 = tpu.memref_slice %arg4[%mul3A_2, %dma_wait3A_107] : memref<8192x4096xf32, #tpu.memory_space<hbm>> -> memref<8x4096xf32, #tpu.memory_space<hbm>>
    %dma_wait3A_109 = arith.constant 0 : i32
    %dma_wait3A_110 = tpu.memref_slice %arg4[%mul3A_2, %dma_wait3A_109] : memref<8192x4096xf32, #tpu.memory_space<hbm>> -> memref<8x4096xf32, #tpu.memory_space<hbm>>
    %dma_wait3A_111 = arith.constant 0 : i32
    %dma_wait3A_112 = arith.constant 0 : i32
    %dma_wait3A_113 = tpu.memref_slice %arg6[%dma_wait3A_102, %dma_wait3A_111, %dma_wait3A_112] : memref<3x8x4096xf32, #tpu.memory_space<vmem>> -> memref<1x8x4096xf32, #tpu.memory_space<vmem>>
    %dma_wait3A_114 = tpu.memref_squeeze %dma_wait3A_113 : memref<1x8x4096xf32, #tpu.memory_space<vmem>> -> memref<8x4096xf32, #tpu.memory_space<vmem>>
    tpu.wait_dma2 semaphore(%arg11 : memref<!tpu.dma_semaphore, #tpu.memory_space<semaphore_mem>>) src(%dma_wait3A_114 : memref<8x4096xf32, #tpu.memory_space<vmem>>) dst(%dma_wait3A_110 : memref<8x4096xf32, #tpu.memory_space<hbm>>)
    return
  }
}

</mosaic_0001>

<sc_bundles>
// kernel: kernel.3.cloned.1.call-start
scs
__scs_entry_jumppad:
0x0: {  	(pc) =	sbr.rel $0x88, $3  }
0x1: {  	(tag) =	ssettag $0x0;
	lr =	simm.s32 $0x1  }
0x2: {  	[smem:$0x3F9F] =	sst lr;
	_ =	strace $0xD0000000  }
0x3: {  	_ = 	snop  }
0x4: {  	_ = 	snop  }
0x5: {  	_ = 	snop  }
0x6: {  	_ = 	snop  }
0x7: {  	_ = 	snop  }
__scs_overlays_trampoline_lowered:
0x8: {  	[smem:$0x3FAE] =	sst s0  }
0x9: {  	[smem:$0x3FAF] =	sst s1  }
0xa: {  	[smem:$0x3FB0] =	sst s2  }
0xb: {  	[smem:$0x3FB1] =	sst s3  }
0xc: {  	[smem:$0x3FB2] =	sst s4  }
0xd: {  	[smem:$0x3FB3] =	sst s5  }
0xe: {  	[smem:$0x3FB4] =	sst s6  }
0xf: {  	[smem:$0x3FB5] =	sst s7  }
0x10: {  	[smem:$0x3FB6] =	sst s8  }
0x11: {  	[smem:$0x3FB7] =	sst s9;
	s0 =	simm.s32 @!p0 $0x0  }
0x12: {  	s1 =	sld [smem:$0x3F9D];
	s0 =	simm.s32 @p0 $0x1  }
0x13: {  	[smem:$0x3FB8] =	sst s0;
	s0 =	simm.s32 @!p1 $0x0  }
0x14: {  	s2 =	sld [smem:$0x3F9C];
	s0 =	simm.s32 @p1 $0x1  }
0x15: {  	[smem:$0x3FB9] =	sst s0;
	s0 =	simm.s32 @!p2 $0x0  }
0x16: {  	s3 =	sld [smem:$0x3FDB];
	s0 =	simm.s32 @p2 $0x1  }
0x17: {  	s4 =	simm.s32 $0x1BF5;
	[smem:$0x3FBB] =	sst s0  }
0x18: {  	s0 =	sld [smem:$0x3F9E];
	_ =	swait.ge [sflag:s4], $0x0  }
0x19: {  	s7 =	sld [smem:$0x3F9F]  }
0x1a: {  	s8 =	sadd.s32 $0xFFFFE003, lr  }
0x1b: {  	s9 =	sadd.s32 $0xFFFFFEF7, lr;
	s5 =	simm.s32 $0xFFFFFFFF;
	p2 =	slt.u32 s8, $0xFFFFF086  }
0x1c: {  	p1 =	slt.u32 s9, $0xF7A;
	s5 =	simm.s32 @!p2 $0x0  }
0x1d: {  	s5 =	simm.s32 @p1 $0x1;
	p0 =	seq.s32 s7, s2  }
0x1e: {  	s7 =	smul.u32 @!p0 $0xF7A, s2;
	p2 =	seq.s32 @!p0 s5, $0x0  }
0x1f: {  	s9 =	smul.u32 $0xF7A, s1;
	s8 =	simm.s32 @!p0 $0x1BF5;
	p2 =	por !p2, p0  }
0x20: {  	[sflag:s8] =	ssyncset.s32 @!p0 $0xFFFFF086;
	s6 =	sadd.s32 @!p0 s3, s7;
	s7 =	simm.s32 @!p0 $0x108  }
0x21: {  	s3 =	sadd.s32 s3, s9;
	s6 =	sadd.s32 @!p0 $0x88, s6;
	s7 =	simm.s32 @p2 $0x1082  }
0x22: {  	[simem:s7], [sflag:s8] =	dma.local @!p0 [hbm:s6], $0xF7A  }
0x23: {  	s9 =	sor.u32 $0xD0000000, s2;
	s6 =	simm.s32 $0x108;
	_ =	swait.ge @!p0 [sflag:s8], $0x0  }
0x24: {  	s3 =	sadd.s32 $0x88, s3;
	s6 =	simm.s32 @!p1 $0x1082;
	[sflag:s4] =	ssyncset.s32 $0xFFFFF086  }
0x25: {  	[simem:s6], [sflag:s4] =	dma.local [hbm:s3], $0xF7A  }
0x26: {  	[smem:$0x3F9F] =	sst s1;
	(tag) =	ssettag s2;
	_ =	strace s9  }
0x27: {  	s1 =	sld [smem:$0x3FAF]  }
0x28: {  	s2 =	sld [smem:$0x3FB0]  }
0x29: {  	s4 =	sld [smem:$0x3FB2]  }
0x2a: {  	p0 =	seq.s32 s5, $0x0;
	s5 =	sld [smem:$0x3FB3]  }
0x2b: {  	s6 =	sld [smem:$0x3FB4]  }
0x2c: {  	s7 =	sld [smem:$0x3FB5]  }
0x2d: {  	s3 =	simm.s32 $0x108;
	s8 =	sld [smem:$0x3FB6]  }
0x2e: {  	s3 =	simm.s32 @!p0 $0x1082;
	s9 =	sld [smem:$0x3FB7]  }
0x2f: {  	lr =	sadd.s32 s0, s3;
	s0 =	sld [smem:$0x3FAE]  }
0x30: {  	s3 =	sld [smem:$0x3FB1]  }
0x31: {  	[smem:$0x3FBA] =	sst s10  }
0x32: {  	s10 =	sld [smem:$0x3FB8];
	_ =	sdelay $0x3  }
0x33: {  	p0 =	seq.s32 s10, $0x1;
	s10 =	sld [smem:$0x3FBA];
	_ =	sdelay $0x3  }
0x34: {  	[smem:$0x3FBA] =	sst s10  }
0x35: {  	s10 =	sld [smem:$0x3FB9];
	_ =	sdelay $0x3  }
0x36: {  	p1 =	seq.s32 s10, $0x1;
	s10 =	sld [smem:$0x3FBA];
	_ =	sdelay $0x3  }
0x37: {  	[smem:$0x3FBA] =	sst s10  }
0x38: {  	s10 =	sld [smem:$0x3FBB]  }
0x39: {  	_ = 	snop;
	(pc) =	sbr.ind lr, $3  }
0x3a: {  	_ = 	snop  }
0x3b: {  	_ = 	snop  }
0x3c: {  	p2 =	seq.s32 s10, $0x1;
	s10 =	sld [smem:$0x3FBA]  }
0x3d: {  	_ =	shalt  }
0x3e: {  	_ =	shalt  }
0x3f: {  	_ =	shalt  }
0x40: {  	_ =	shalt  }
0x41: {  	_ =	shalt  }
0x42: {  	_ =	shalt  }
0x43: {  	_ =	shalt  }
0x44: {  	_ =	shalt  }
0x45: {  	_ =	shalt  }
0x46: {  	_ =	shalt  }
0x47: {  	_ =	shalt  }
0x48: {  	_ =	shalt  }
0x49: {  	_ =	shalt  }
0x4a: {  	_ =	shalt  }
0x4b: {  	_ =	shalt  }
0x4c: {  	_ =	shalt  }
0x4d: {  	_ =	shalt  }
0x4e: {  	_ =	shalt  }
0x4f: {  	_ =	shalt  }
0x50: {  	_ =	shalt  }
0x51: {  	_ =	shalt  }
0x52: {  	_ =	shalt  }
0x53: {  	_ =	shalt  }
0x54: {  	_ =	shalt  }
0x55: {  	_ =	shalt  }
0x56: {  	_ =	shalt  }
0x57: {  	_ =	shalt  }
0x58: {  	_ =	shalt  }
0x59: {  	_ =	shalt  }
0x5a: {  	_ =	shalt  }
0x5b: {  	_ =	shalt  }
0x5c: {  	_ =	shalt  }
0x5d: {  	_ =	shalt  }
0x5e: {  	_ =	shalt  }
0x5f: {  	_ =	shalt  }
0x60: {  	_ =	shalt  }
0x61: {  	_ =	shalt  }
0x62: {  	_ =	shalt  }
0x63: {  	_ =	shalt  }
0x64: {  	_ =	shalt  }
0x65: {  	_ =	shalt  }
0x66: {  	_ =	shalt  }
0x67: {  	_ =	shalt  }
0x68: {  	_ =	shalt  }
0x69: {  	_ =	shalt  }
0x6a: {  	_ =	shalt  }
0x6b: {  	_ =	shalt  }
0x6c: {  	_ =	shalt  }
0x6d: {  	_ =	shalt  }
0x6e: {  	_ =	shalt  }
0x6f: {  	_ =	shalt  }
0x70: {  	_ =	shalt  }
0x71: {  	_ =	shalt  }
0x72: {  	_ =	shalt  }
0x73: {  	_ =	shalt  }
0x74: {  	_ =	shalt  }
0x75: {  	_ =	shalt  }
0x76: {  	_ =	shalt  }
0x77: {  	_ =	shalt  }
0x78: {  	_ =	shalt  }
0x79: {  	_ =	shalt  }
0x7a: {  	_ =	shalt  }
0x7b: {  	_ =	shalt  }
0x7c: {  	_ =	shalt  }
0x7d: {  	_ =	shalt  }
0x7e: {  	_ =	shalt  }
0x7f: {  	_ =	shalt  }
0x80: {  	_ =	shalt  }
0x81: {  	_ =	shalt  }
0x82: {  	_ =	shalt  }
0x83: {  	_ =	shalt  }
0x84: {  	_ =	shalt  }
0x85: {  	_ =	shalt  }
0x86: {  	_ =	shalt  }
0x87: {  	_ =	shalt  }
.Lfunc_end0:
.L_simem_size_0:
called_computation_lowered:
.L_overlay_start_0:
0x88: {  	s2 =	sld [smem:$0x3FD9]  }
0x89: {  	s3 =	sld [smem:$0x3FFE];
	_ =	sdelay $0x1  }
0x8a: {  	s1 =	srdreg.scid  }
0x8b: {  	s0 =	sand.u32 $0x1, s1  }
0x8c: {  	s17 =	sshll.u32 s0, $0xA;
	s2 =	sadd.s32 s3, s2  }
0x8d: {  	s2 =	sadd.s32 s2, s17  }
0x8e: {  	[smem:$0x3FC6] =	sst s2  }
0x8f: {  	_ = 	snop  }
0x90: {  	s2 =	sld [smem:$0x3FC8]  }
0x91: {  	s18 =	sld [smem:$0x3FD0];
	(tm) =	ssettm $0x1  }
0x92: {  	s4 =	sld [smem:$0x3FFB];
	_ =	sdelay $0x3  }
0x93: {  	_ =	strace s4  }
0x94: {  	s4 =	sld [smem:$0x3FFC];
	_ =	sdelay $0x3  }
0x95: {  	_ =	strace s4  }
0x96: {  	s4 =	sld [smem:$0x3FFD];
	_ =	sdelay $0x3  }
0x97: {  	_ =	strace s4  }
0x98: {  	_ =	strace $0x8FFFFFFF  }
0x99: {  	s19 =	sld [smem:$0x3FDB];
	_ =	sdelay $0x1  }
0x9a: {  	s5 =	simm.s32 $_scs_section_size  }
0x9b: {  	s6 =	simm.s32 $_size__tile_overlayer_lowered;
	s7 =	simm.s32 $_tile_overlayer_lowered  }
0x9c: {  	s22 =	simm.s32 $0x1BFF;
	s21 =	sshll.u32 s7, $0x1;
	s4 =	sadd.s32 s5, s19  }
0x9d: {  	s8 =	simm.s32 $0x0;
	s20 =	sshll.u32 s6, $0x1;
	s6 =	sadd.s32 s21, s4  }
0x9e: {  	[timem:s8], [sflag:s22] =	dma.local [hbm:s6], s20  }
0x9f: {  	_ =	swait.ge [sflag:s22], s20  }
0xa0: {  	s5 =	ssub.s32 $0x0, s20;
	[sflag:s22] =	ssyncset.done $0x0  }
0xa1: {  	[sflag:s22] =	ssyncadd.s32 s5;
	_ =	sdelay $0x1  }
0xa2: {  	s23 =	simm.s32 $0x1B8B  }
0xa3: {  	_ =	swait.ge [sflag:s23], $0x1  }
0xa4: {  	[sflag:s23] =	ssyncset.done $0x0  }
0xa5: {  	s25 =	simm.s32 $0x1B8E;
	s24 =	sld [smem:$0x3FFE];
	[sflag:s23] =	ssyncadd.s32 $0xFFFFFFFF  }
0xa6: {  	s26 =	simm.s32 $execute0_lowered;
	[smem:$0x3FD2] =	sst s25  }
0xa7: {  	s6 =	sshll.u32 s26, $0x1;
	_ =	strace $0x80000046;
	[dreg:$0x1] =	wrdreg $0xFFFFFFFF  }
0xa8: {  	s28 =	simm.s32 $_size_execute0_lowered;
	s4 =	sadd.s32 s4, s6;
	[dreg:$0x0] =	wrdreg $0x0  }
0xa9: {  	s6 =	sshll.u32 s28, $0x1;
	[dreg:$0x2] =	wrdreg s4  }
0xaa: {  	[dreg:$0x3] =	wrdreg s6  }
0xab: {  	[dreg:$0x4] =	wrdreg $0xC0  }
0xac: {  	_ =	task [dreg:s8], $0x5FFFF  }
0xad: {  	[dreg:$0x1] =	wrdreg $0xFFFFFFFF  }
0xae: {  	[dreg:$0x0] =	wrdreg $0x60  }
0xaf: {  	[dreg:$0x2] =	wrdreg s24  }
0xb0: {  	[dreg:$0x3] =	wrdreg s2  }
0xb1: {  	[dreg:$0x4] =	wrdreg s18  }
0xb2: {  	[dreg:$0x5] =	wrdreg $0x9  }
0xb3: {  	_ =	task.clear_ibuf [dreg:s8], $0x6FFFF;
	_ =	strace $0x90000046  }
0xb4: {  	s29 =	simm.s32 $0x9;
	_ =	strace $0x80000048  }
0xb5: {  	_ =	swait.ge [sflag:s29], $0x1  }
0xb6: {  	[sflag:s29] =	ssyncadd.s32 $0xFFFFFFFF  }
0xb7: {  	_ =	strace $0x90000048  }
0xb8: {  	_ =	sfence  }
0xb9: {  	s30 =	sld [smem:$0x0];
	_ =	sdelay $0x2  }
0xba: {  	s31 =	sshll.u32 s1, $0xD;
	s1 =	sshrl.u32 s1, $0x2  }
0xbb: {  	s3 =	sand.u32 $0x4000, s31;
	s1 =	sadd.s32 s1, s30  }
0xbc: {  	s0 =	sor.u32 s3, s0;
	s1 =	sshll.u32 s1, $0x11  }
0xbd: {  	s0 =	sor.u32 s1, s0  }
0xbe: {  	s0 =	sadd.s32 $0x8F2B, s0  }
0xbf: {  	[sflag:s0] =	ssyncadd.remote.s32 $0x1  }
0xc0: {  	_ =	sfence.sel $0xFFFF  }
0xc1: {  	[dreg:$0x0] =	wrdreg $0xFFFFFFFF;
	(pc) =	sbr.abs _section_cstart, $3  }
0xc2: {  	[dreg:$0x1] =	wrdreg $0xFFFFFFFF  }
0xc3: {  	_ =	task.clear_ibuf [dreg:s8], $0x2FFFF;
	_ =	strace $0x9FFFFFFF  }
0xc4: {  	(tm) =	ssettm $0x7FFFFFFF  }
0xc5: {  	_ =	shalt  }
tec
execute0_lowered:
.L_overlay_start_1:
0x0: {  	(tag) =	ssettag $0x1  }
0x1: {  	s0 =	rddreg [dreg:$0x0]  }
0x2: {  	s1 =	srdreg.scid;
	s2 =	rddreg [dreg:$0x1]  }
0x3: {  	s7 =	stileid.u32;
	s4 =	rddreg [dreg:$0x2]  }
0x4: {  	s14 =	simm.s32 $0x10900;
	s15 =	simm.s32 $0x11100;
	s16 =	simm.s32 $0x11900  }
0x5: {  	s17 =	simm.s32 $0x12100;
	s18 =	simm.s32 $0x12900;
	s19 =	simm.s32 $0x13100  }
0x6: {  	s22 =	simm.s32 $0x13900;
	s23 =	simm.s32 $0x14100;
	s24 =	simm.s32 $0x14900  }
0x7: {  	s25 =	simm.s32 $0x15100;
	s29 =	simm.s32 $0x1900;
	s1 =	sand.u32 $0x1, s1  }
0x8: {  	s30 =	simm.s32 $0x2100;
	s3 =	sshll.u32 s7, $0x9;
	s5 =	sshll.u32 s1, $0x8  }
0x9: {  	s31 =	simm.s32 $0x2900;
	s20 =	sor.u32 s5, s3;
	s3 =	simm.s32 $0x0  }
0xa: {  	s28 =	simm.s32 $0x8100;
	s13 =	sshll.u32 s7, $0x12;
	[smem:$0x7FF] =	sst s3  }
0xb: {  	s7 =	sadd.s32 $0x300, s2;
	_ =	strace $0x80000047;
	[dreg:$0x5] =	wrdreg s14  }
0xc: {  	s8 =	sadd.s32 $0x400, s2;
	s9 =	sadd.s32 $0x500, s2;
	[dreg:$0x6] =	wrdreg s15  }
0xd: {  	s10 =	sadd.s32 $0x600, s2;
	s11 =	sadd.s32 $0x700, s2;
	[dreg:$0x7] =	wrdreg s16  }
0xe: {  	s6 =	ssub.s32 $0x2, s1;
	s1 =	sshll.u32 s1, $0x11;
	[dreg:$0x8] =	wrdreg s17  }
0xf: {  	s12 =	sshrl.u32 s6, $0x1;
	s5 =	sshrl.u32 s20, $0x3;
	[dreg:$0x9] =	wrdreg s18  }
0x10: {  	s21 =	ssub.s32 s6, s12;
	s6 =	sadd.s32 $0x200, s2;
	[dreg:$0xa] =	wrdreg s19  }
0x11: {  	s12 =	sadd.s32 $0x800, s2;
	s26 =	sshll.u32 s20, $0x9;
	[dreg:$0xb] =	wrdreg s22  }
0x12: {  	s20 =	simm.s32 $0x15900;
	s0 =	sadd.s32 s5, s0;
	[dreg:$0xc] =	wrdreg s23  }
0x13: {  	s5 =	sadd.s32 $0x100, s2;
	s14 =	sadd.s32 $0xA00, s2;
	[dreg:$0xd] =	wrdreg s24  }
0x14: {  	s15 =	sadd.s32 $0xB00, s2;
	s16 =	sadd.s32 $0xC00, s2;
	[dreg:$0xe] =	wrdreg s25  }
0x15: {  	s17 =	sadd.s32 $0xD00, s2;
	[dreg:$0xf] =	wrdreg s20;
	s22 =	simm.s32 $0x16100  }
0x16: {  	s18 =	sadd.s32 $0xE00, s2;
	s23 =	simm.s32 $0x16900;
	[dreg:$0x10] =	wrdreg s22  }
0x17: {  	s19 =	sadd.s32 $0xF00, s2;
	s25 =	smax.u32 s21, $0x1;
	[dreg:$0x11] =	wrdreg s23  }
0x18: {  	s24 =	simm.s32 $0x17100;
	s20 =	simm.s32 $0x4;
	[dreg:$0x17] =	wrdreg s25  }
0x19: {  	s21 =	simm.s32 $0x3;
	s0 =	sadd.s32 $0x400, s0;
	[dreg:$0x12] =	wrdreg s24  }
0x1a: {  	s24 =	simm.s32 $0x100;
	s25 =	simm.s32 $0x900;
	s22 =	simm.s32 $0x5  }
0x1b: {  	s23 =	simm.s32 $0x0;
	[dreg:$0x14] =	wrdreg s0;
	s0 =	sadd.s32 s13, s4  }
0x1c: {  	s13 =	sadd.s32 $0x900, s2;
	[dreg:$0x18] =	wrdreg s23;
	s0 =	sadd.s32 s1, s0  }
0x1d: {  	s1 =	sadd.s32 s26, s4;
	s26 =	simm.s32 $0x17900;
	[dreg:$0x4] =	wrdreg s0  }
0x1e: {  	v0 =	vlaneseq.u32;
	s4 =	sadd.s32 $0x1E000, s1;
	s1 =	sadd.s32 $0x1F000, s1;
	[dreg:$0x13] =	wrdreg s26  }
0x1f: {  	v1 =	vshrl.u32 v0, $0x3;
	s26 =	simm.s32 $0x1100;
	s0 =	simm.s32 $0x10100;
	[dreg:$0x15] =	wrdreg s4  }
0x20: {  	vm0 =	vmmov $0xffff;
	v0 =	vand.u32 $0x7, v0;
	v1 =	vmul.u32 $0x8, v1;
	[dreg:$0x16] =	wrdreg s1;
	s1 =	simm.s32 $0x1;
	s4 =	simm.s32 $0x2  }
.LBB2_1:
0x21: {  	s23 =	rddreg [dreg:$0x14]  }
0x22: {  	[tilespmem:s3], [sflag:$0x7] =	stream.linear.gather [hbm4b:s23+s3], $0x100, $0x38;
	[tilespmem:$0x18100] =	vst v63  }
0x23: {  	s23 =	simm.s32 $0x7  }
0x24: {  	_ =	swait.ge [sflag:s23], $0x100  }
0x25: {  	[sflag:s23] =	ssyncset.done $0x0  }
0x26: {  	[sflag:s23] =	ssyncadd.s32 $0xFFFFFF00  }
0x27: {  	v2 =	vld.msk [tilespmem:$0x0], $0xff;
	_ =	sdelay $0x4  }
0x28: {  	v3 =	vshll.u32 v2, $0x5  }
0x29: {  	v2 =	vand.u32 $0x7, v2;
	v3 =	vand.u32 $0xFFFFFF00, v3  }
0x2a: {  	v2 =	vor.u32 v2, v3  }
0x2b: {  	v2 =	vperm.xlane v2, v0;
	_ =	sdelay $0x1  }
0x2c: {  	v2 =	vadd.s32 v1, v2;
	_ =	sdelay $0x4  }
0x2d: {  	[tilespmem:s24], [sflag:$0x1] =	stream.indirect_vreg.gather [hbm4b:s2+s3], $0x80, v2, vm0, $0xb8;
	[tilespmem:$0x18100] =	vst v63  }
0x2e: {  	_ = 	snop  }
0x2f: {  	[tilespmem:s25], [sflag:$0x1] =	stream.indirect_vreg.gather [hbm4b:s5+s3], $0x80, v2, vm0, $0xb8;
	[tilespmem:$0x18100] =	vst v63  }
0x30: {  	_ = 	snop  }
0x31: {  	[tilespmem:s26], [sflag:$0x1] =	stream.indirect_vreg.gather [hbm4b:s6+s3], $0x80, v2, vm0, $0xb8;
	[tilespmem:$0x18100] =	vst v63  }
0x32: {  	_ = 	snop  }
0x33: {  	[tilespmem:s29], [sflag:$0x1] =	stream.indirect_vreg.gather [hbm4b:s7+s3], $0x80, v2, vm0, $0xb8;
	[tilespmem:$0x18100] =	vst v63  }
0x34: {  	_ = 	snop  }
0x35: {  	[tilespmem:s30], [sflag:$0x1] =	stream.indirect_vreg.gather [hbm4b:s8+s3], $0x80, v2, vm0, $0xb8;
	[tilespmem:$0x18100] =	vst v63  }
0x36: {  	_ = 	snop  }
0x37: {  	[tilespmem:s31], [sflag:$0x1] =	stream.indirect_vreg.gather [hbm4b:s9+s3], $0x80, v2, vm0, $0xb8;
	[tilespmem:$0x18100] =	vst v63  }
0x38: {  	s25 =	simm.s32 $0x3100  }
0x39: {  	[tilespmem:s25], [sflag:$0x1] =	stream.indirect_vreg.gather [hbm4b:s10+s3], $0x80, v2, vm0, $0xb8;
	[tilespmem:$0x18100] =	vst v63  }
0x3a: {  	s26 =	simm.s32 $0x3900  }
0x3b: {  	[tilespmem:s26], [sflag:$0x1] =	stream.indirect_vreg.gather [hbm4b:s11+s3], $0x80, v2, vm0, $0xb8;
	[tilespmem:$0x18100] =	vst v63  }
0x3c: {  	s29 =	simm.s32 $0x4100  }
0x3d: {  	[tilespmem:s29], [sflag:$0x1] =	stream.indirect_vreg.gather [hbm4b:s12+s3], $0x80, v2, vm0, $0xb8;
	[tilespmem:$0x18100] =	vst v63  }
0x3e: {  	s25 =	simm.s32 $0x4900  }
0x3f: {  	[tilespmem:s25], [sflag:$0x1] =	stream.indirect_vreg.gather [hbm4b:s13+s3], $0x80, v2, vm0, $0xb8;
	[tilespmem:$0x18100] =	vst v63  }
0x40: {  	s26 =	simm.s32 $0x5100  }
0x41: {  	[tilespmem:s26], [sflag:$0x1] =	stream.indirect_vreg.gather [hbm4b:s14+s3], $0x80, v2, vm0, $0xb8;
	[tilespmem:$0x18100] =	vst v63  }
0x42: {  	s29 =	simm.s32 $0x5900  }
0x43: {  	[tilespmem:s29], [sflag:$0x1] =	stream.indirect_vreg.gather [hbm4b:s15+s3], $0x80, v2, vm0, $0xb8;
	[tilespmem:$0x18100] =	vst v63  }
0x44: {  	s25 =	simm.s32 $0x6100  }
0x45: {  	[tilespmem:s25], [sflag:$0x1] =	stream.indirect_vreg.gather [hbm4b:s16+s3], $0x80, v2, vm0, $0xb8;
	[tilespmem:$0x18100] =	vst v63  }
0x46: {  	s26 =	simm.s32 $0x6900  }
0x47: {  	[tilespmem:s26], [sflag:$0x1] =	stream.indirect_vreg.gather [hbm4b:s17+s3], $0x80, v2, vm0, $0xb8;
	[tilespmem:$0x18100] =	vst v63  }
0x48: {  	s29 =	simm.s32 $0x7100  }
0x49: {  	[tilespmem:s29], [sflag:$0x1] =	stream.indirect_vreg.gather [hbm4b:s18+s3], $0x80, v2, vm0, $0xb8;
	[tilespmem:$0x18100] =	vst v63  }
0x4a: {  	s25 =	simm.s32 $0x7900  }
0x4b: {  	[tilespmem:s25], [sflag:$0x1] =	stream.indirect_vreg.gather [hbm4b:s19+s3], $0x80, v2, vm0, $0xb8;
	[tilespmem:$0x18100] =	vst v63  }
0x4c: {  	v2 =	vld.msk [tilespmem:$0x8], $0xff;
	_ =	sdelay $0x4  }
0x4d: {  	v3 =	vshll.u32 v2, $0x5  }
0x4e: {  	v2 =	vand.u32 $0x7, v2;
	v3 =	vand.u32 $0xFFFFFF00, v3  }
0x4f: {  	v2 =	vor.u32 v2, v3  }
0x50: {  	v2 =	vperm.xlane v2, v0;
	_ =	sdelay $0x1  }
0x51: {  	v2 =	vadd.s32 v1, v2;
	_ =	sdelay $0x4  }
0x52: {  	[tilespmem:s28], [sflag:$0x2] =	stream.indirect_vreg.gather [hbm4b:s2+s3], $0x80, v2, vm0, $0xb8;
	[tilespmem:$0x18100] =	vst v63  }
0x53: {  	s26 =	simm.s32 $0x8900  }
0x54: {  	[tilespmem:s26], [sflag:$0x2] =	stream.indirect_vreg.gather [hbm4b:s5+s3], $0x80, v2, vm0, $0xb8;
	[tilespmem:$0x18100] =	vst v63  }
0x55: {  	s29 =	simm.s32 $0x9100  }
0x56: {  	[tilespmem:s29], [sflag:$0x2] =	stream.indirect_vreg.gather [hbm4b:s6+s3], $0x80, v2, vm0, $0xb8;
	[tilespmem:$0x18100] =	vst v63  }
0x57: {  	s25 =	simm.s32 $0x9900  }
0x58: {  	[tilespmem:s25], [sflag:$0x2] =	stream.indirect_vreg.gather [hbm4b:s7+s3], $0x80, v2, vm0, $0xb8;
	[tilespmem:$0x18100] =	vst v63  }
0x59: {  	s26 =	simm.s32 $0xA100  }
0x5a: {  	[tilespmem:s26], [sflag:$0x2] =	stream.indirect_vreg.gather [hbm4b:s8+s3], $0x80, v2, vm0, $0xb8;
	[tilespmem:$0x18100] =	vst v63  }
0x5b: {  	s29 =	simm.s32 $0xA900  }
0x5c: {  	[tilespmem:s29], [sflag:$0x2] =	stream.indirect_vreg.gather [hbm4b:s9+s3], $0x80, v2, vm0, $0xb8;
	[tilespmem:$0x18100] =	vst v63  }
0x5d: {  	s25 =	simm.s32 $0xB100  }
0x5e: {  	[tilespmem:s25], [sflag:$0x2] =	stream.indirect_vreg.gather [hbm4b:s10+s3], $0x80, v2, vm0, $0xb8;
	[tilespmem:$0x18100] =	vst v63  }
0x5f: {  	s26 =	simm.s32 $0xB900  }
0x60: {  	[tilespmem:s26], [sflag:$0x2] =	stream.indirect_vreg.gather [hbm4b:s11+s3], $0x80, v2, vm0, $0xb8;
	[tilespmem:$0x18100] =	vst v63  }
0x61: {  	s29 =	simm.s32 $0xC100  }
0x62: {  	[tilespmem:s29], [sflag:$0x2] =	stream.indirect_vreg.gather [hbm4b:s12+s3], $0x80, v2, vm0, $0xb8;
	[tilespmem:$0x18100] =	vst v63  }
0x63: {  	s25 =	simm.s32 $0xC900  }
0x64: {  	[tilespmem:s25], [sflag:$0x2] =	stream.indirect_vreg.gather [hbm4b:s13+s3], $0x80, v2, vm0, $0xb8;
	[tilespmem:$0x18100] =	vst v63  }
0x65: {  	s26 =	simm.s32 $0xD100  }
0x66: {  	[tilespmem:s26], [sflag:$0x2] =	stream.indirect_vreg.gather [hbm4b:s14+s3], $0x80, v2, vm0, $0xb8;
	[tilespmem:$0x18100] =	vst v63  }
0x67: {  	s29 =	simm.s32 $0xD900  }
0x68: {  	[tilespmem:s29], [sflag:$0x2] =	stream.indirect_vreg.gather [hbm4b:s15+s3], $0x80, v2, vm0, $0xb8;
	[tilespmem:$0x18100] =	vst v63  }
0x69: {  	s25 =	simm.s32 $0xE100  }
0x6a: {  	[tilespmem:s25], [sflag:$0x2] =	stream.indirect_vreg.gather [hbm4b:s16+s3], $0x80, v2, vm0, $0xb8;
	[tilespmem:$0x18100] =	vst v63  }
0x6b: {  	s26 =	simm.s32 $0xE900  }
0x6c: {  	[tilespmem:s26], [sflag:$0x2] =	stream.indirect_vreg.gather [hbm4b:s17+s3], $0x80, v2, vm0, $0xb8;
	[tilespmem:$0x18100] =	vst v63  }
0x6d: {  	s23 =	simm.s32 $0x20;
	s29 =	simm.s32 $0xF100  }
0x6e: {  	[tilespmem:s29], [sflag:$0x2] =	stream.indirect_vreg.gather [hbm4b:s18+s3], $0x80, v2, vm0, $0xb8;
	[tilespmem:$0x18100] =	vst v63  }
0x6f: {  	s30 =	simm.s32 $0xF900;
	s31 =	simm.s32 $0x2100;
	s25 =	simm.s32 $0x0  }
0x70: {  	[tilespmem:s30], [sflag:$0x2] =	stream.indirect_vreg.gather [hbm4b:s19+s3], $0x80, v2, vm0, $0xb8;
	[tilespmem:$0x18100] =	vst v63  }
.LBB2_2:
0x71: {  	_ =	swait.ge [sflag:s1], $0x8000  }
0x72: {  	p0 =	seq.s32 s25, $0x0;
	[sflag:s1] =	ssyncset.done $0x0  }
0x73: {  	s26 =	simm.s32 @!p0 $0x6;
	[sflag:s1] =	ssyncadd.s32 $0xFFFF8000  }
0x74: {  	_ =	swait.ge @!p0 [sflag:s26], $0x8000  }
0x75: {  	[sflag:s26] =	ssyncset.done @!p0 $0x0  }
0x76: {  	[sflag:s26] =	ssyncadd.s32 @!p0 $0xFFFF8000  }
0x77: {  	v2 =	vld.msk [tilespmem:s23+$0xFFFFFFF0], $0xff;
	_ =	sdelay $0x4  }
0x78: {  	v3 =	vshll.u32 v2, $0x5  }
0x79: {  	v2 =	vand.u32 $0x7, v2;
	v3 =	vand.u32 $0xFFFFFF00, v3  }
0x7a: {  	v2 =	vor.u32 v2, v3  }
0x7b: {  	v2 =	vperm.xlane v2, v0;
	_ =	sdelay $0x1  }
0x7c: {  	v2 =	vadd.s32 v1, v2;
	_ =	sdelay $0x3  }
0x7d: {  	s29 =	rddreg [dreg:$0x6]  }
0x7e: {  	[tilespmem:s0], [sflag:$0x3] =	stream.indirect_vreg.gather [hbm4b:s2+s3], $0x80, v2, vm0, $0xb8;
	[tilespmem:$0x18100] =	vst v63  }
0x7f: {  	s26 =	rddreg [dreg:$0x5]  }
0x80: {  	[tilespmem:s26], [sflag:$0x3] =	stream.indirect_vreg.gather [hbm4b:s5+s3], $0x80, v2, vm0, $0xb8;
	[tilespmem:$0x18100] =	vst v63  }
0x81: {  	s26 =	rddreg [dreg:$0x7]  }
0x82: {  	[tilespmem:s29], [sflag:$0x3] =	stream.indirect_vreg.gather [hbm4b:s6+s3], $0x80, v2, vm0, $0xb8;
	[tilespmem:$0x18100] =	vst v63  }
0x83: {  	s29 =	rddreg [dreg:$0x8]  }
0x84: {  	[tilespmem:s26], [sflag:$0x3] =	stream.indirect_vreg.gather [hbm4b:s7+s3], $0x80, v2, vm0, $0xb8;
	[tilespmem:$0x18100] =	vst v63  }
0x85: {  	s26 =	rddreg [dreg:$0x9]  }
0x86: {  	[tilespmem:s29], [sflag:$0x3] =	stream.indirect_vreg.gather [hbm4b:s8+s3], $0x80, v2, vm0, $0xb8;
	[tilespmem:$0x18100] =	vst v63  }
0x87: {  	s29 =	rddreg [dreg:$0xa]  }
0x88: {  	[tilespmem:s26], [sflag:$0x3] =	stream.indirect_vreg.gather [hbm4b:s9+s3], $0x80, v2, vm0, $0xb8;
	[tilespmem:$0x18100] =	vst v63  }
0x89: {  	s26 =	rddreg [dreg:$0xb]  }
0x8a: {  	[tilespmem:s29], [sflag:$0x3] =	stream.indirect_vreg.gather [hbm4b:s10+s3], $0x80, v2, vm0, $0xb8;
	[tilespmem:$0x18100] =	vst v63  }
0x8b: {  	s29 =	rddreg [dreg:$0xc]  }
0x8c: {  	[tilespmem:s26], [sflag:$0x3] =	stream.indirect_vreg.gather [hbm4b:s11+s3], $0x80, v2, vm0, $0xb8;
	[tilespmem:$0x18100] =	vst v63  }
0x8d: {  	s26 =	rddreg [dreg:$0xd]  }
0x8e: {  	[tilespmem:s29], [sflag:$0x3] =	stream.indirect_vreg.gather [hbm4b:s12+s3], $0x80, v2, vm0, $0xb8;
	[tilespmem:$0x18100] =	vst v63  }
0x8f: {  	s29 =	rddreg [dreg:$0xe]  }
0x90: {  	[tilespmem:s26], [sflag:$0x3] =	stream.indirect_vreg.gather [hbm4b:s13+s3], $0x80, v2, vm0, $0xb8;
	[tilespmem:$0x18100] =	vst v63  }
0x91: {  	s26 =	rddreg [dreg:$0xf]  }
0x92: {  	[tilespmem:s29], [sflag:$0x3] =	stream.indirect_vreg.gather [hbm4b:s14+s3], $0x80, v2, vm0, $0xb8;
	[tilespmem:$0x18100] =	vst v63  }
0x93: {  	s29 =	rddreg [dreg:$0x10]  }
0x94: {  	[tilespmem:s26], [sflag:$0x3] =	stream.indirect_vreg.gather [hbm4b:s15+s3], $0x80, v2, vm0, $0xb8;
	[tilespmem:$0x18100] =	vst v63  }
0x95: {  	s26 =	rddreg [dreg:$0x11]  }
0x96: {  	[tilespmem:s29], [sflag:$0x3] =	stream.indirect_vreg.gather [hbm4b:s16+s3], $0x80, v2, vm0, $0xb8;
	[tilespmem:$0x18100] =	vst v63  }
0x97: {  	s29 =	rddreg [dreg:$0x12]  }
0x98: {  	[tilespmem:s26], [sflag:$0x3] =	stream.indirect_vreg.gather [hbm4b:s17+s3], $0x80, v2, vm0, $0xb8;
	[tilespmem:$0x18100] =	vst v63  }
0x99: {  	s26 =	rddreg [dreg:$0x13]  }
0x9a: {  	[tilespmem:s29], [sflag:$0x3] =	stream.indirect_vreg.gather [hbm4b:s18+s3], $0x80, v2, vm0, $0xb8;
	[tilespmem:$0x18100] =	vst v63  }
0x9b: {  	s29 =	rddreg [dreg:$0x4]  }
0x9c: {  	[tilespmem:s26], [sflag:$0x3] =	stream.indirect_vreg.gather [hbm4b:s19+s3], $0x80, v2, vm0, $0xb8;
	[tilespmem:$0x18100] =	vst v63  }
0x9d: {  	s26 =	sadd.s32 s25, s29  }
0x9e: {  	[hbm4b:s26+s3] =	stream.linear.scatter [tilespmem:s24], [sflag:$0x4], $0x8000, $0x38;
	[tilespmem:$0x18100] =	vst v63  }
0x9f: {  	_ =	swait.ge [sflag:s4], $0x8000  }
0xa0: {  	[sflag:s4] =	ssyncset.done $0x0  }
0xa1: {  	[sflag:s4] =	ssyncadd.s32 $0xFFFF8000  }
0xa2: {  	_ =	swait.ge [sflag:s20], $0x8000  }
0xa3: {  	[sflag:s20] =	ssyncset.done $0x0  }
0xa4: {  	[sflag:s20] =	ssyncadd.s32 $0xFFFF8000  }
0xa5: {  	v2 =	vld.msk [tilespmem:s23+$0xFFFFFFF8], $0xff;
	_ =	sdelay $0x4  }
0xa6: {  	v3 =	vshll.u32 v2, $0x5  }
0xa7: {  	v2 =	vand.u32 $0x7, v2;
	v3 =	vand.u32 $0xFFFFFF00, v3  }
0xa8: {  	v2 =	vor.u32 v2, v3  }
0xa9: {  	v2 =	vperm.xlane v2, v0;
	_ =	sdelay $0x1  }
0xaa: {  	v2 =	vadd.s32 v1, v2;
	_ =	sdelay $0x4  }
0xab: {  	[tilespmem:s24], [sflag:$0x1] =	stream.indirect_vreg.gather [hbm4b:s2+s3], $0x80, v2, vm0, $0xb8;
	[tilespmem:$0x18100] =	vst v63  }
0xac: {  	s29 =	simm.s32 $0x900  }
0xad: {  	[tilespmem:s29], [sflag:$0x1] =	stream.indirect_vreg.gather [hbm4b:s5+s3], $0x80, v2, vm0, $0xb8;
	[tilespmem:$0x18100] =	vst v63  }
0xae: {  	s29 =	simm.s32 $0x1100  }
0xaf: {  	[tilespmem:s29], [sflag:$0x1] =	stream.indirect_vreg.gather [hbm4b:s6+s3], $0x80, v2, vm0, $0xb8;
	[tilespmem:$0x18100] =	vst v63  }
0xb0: {  	s29 =	simm.s32 $0x1900  }
0xb1: {  	[tilespmem:s29], [sflag:$0x1] =	stream.indirect_vreg.gather [hbm4b:s7+s3], $0x80, v2, vm0, $0xb8;
	[tilespmem:$0x18100] =	vst v63  }
0xb2: {  	_ = 	snop  }
0xb3: {  	[tilespmem:s31], [sflag:$0x1] =	stream.indirect_vreg.gather [hbm4b:s8+s3], $0x80, v2, vm0, $0xb8;
	[tilespmem:$0x18100] =	vst v63  }
0xb4: {  	s29 =	simm.s32 $0x2900  }
0xb5: {  	[tilespmem:s29], [sflag:$0x1] =	stream.indirect_vreg.gather [hbm4b:s9+s3], $0x80, v2, vm0, $0xb8;
	[tilespmem:$0x18100] =	vst v63  }
0xb6: {  	s29 =	simm.s32 $0x3100  }
0xb7: {  	[tilespmem:s29], [sflag:$0x1] =	stream.indirect_vreg.gather [hbm4b:s10+s3], $0x80, v2, vm0, $0xb8;
	[tilespmem:$0x18100] =	vst v63  }
0xb8: {  	s29 =	simm.s32 $0x3900  }
0xb9: {  	[tilespmem:s29], [sflag:$0x1] =	stream.indirect_vreg.gather [hbm4b:s11+s3], $0x80, v2, vm0, $0xb8;
	[tilespmem:$0x18100] =	vst v63  }
0xba: {  	s29 =	simm.s32 $0x4100  }
0xbb: {  	[tilespmem:s29], [sflag:$0x1] =	stream.indirect_vreg.gather [hbm4b:s12+s3], $0x80, v2, vm0, $0xb8;
	[tilespmem:$0x18100] =	vst v63  }
0xbc: {  	s29 =	simm.s32 $0x4900  }
0xbd: {  	[tilespmem:s29], [sflag:$0x1] =	stream.indirect_vreg.gather [hbm4b:s13+s3], $0x80, v2, vm0, $0xb8;
	[tilespmem:$0x18100] =	vst v63  }
0xbe: {  	s29 =	simm.s32 $0x5100  }
0xbf: {  	[tilespmem:s29], [sflag:$0x1] =	stream.indirect_vreg.gather [hbm4b:s14+s3], $0x80, v2, vm0, $0xb8;
	[tilespmem:$0x18100] =	vst v63  }
0xc0: {  	s29 =	simm.s32 $0x5900  }
0xc1: {  	[tilespmem:s29], [sflag:$0x1] =	stream.indirect_vreg.gather [hbm4b:s15+s3], $0x80, v2, vm0, $0xb8;
	[tilespmem:$0x18100] =	vst v63  }
0xc2: {  	s29 =	simm.s32 $0x6100  }
0xc3: {  	[tilespmem:s29], [sflag:$0x1] =	stream.indirect_vreg.gather [hbm4b:s16+s3], $0x80, v2, vm0, $0xb8;
	[tilespmem:$0x18100] =	vst v63  }
0xc4: {  	s29 =	simm.s32 $0x6900  }
0xc5: {  	[tilespmem:s29], [sflag:$0x1] =	stream.indirect_vreg.gather [hbm4b:s17+s3], $0x80, v2, vm0, $0xb8;
	[tilespmem:$0x18100] =	vst v63  }
0xc6: {  	s29 =	simm.s32 $0x7100  }
0xc7: {  	[tilespmem:s29], [sflag:$0x1] =	stream.indirect_vreg.gather [hbm4b:s18+s3], $0x80, v2, vm0, $0xb8;
	[tilespmem:$0x18100] =	vst v63  }
0xc8: {  	s29 =	simm.s32 $0x7900  }
0xc9: {  	[tilespmem:s29], [sflag:$0x1] =	stream.indirect_vreg.gather [hbm4b:s19+s3], $0x80, v2, vm0, $0xb8;
	[tilespmem:$0x18100] =	vst v63  }
0xca: {  	s29 =	sadd.s32 $0x1000, s26  }
0xcb: {  	[hbm4b:s29+s3] =	stream.linear.scatter [tilespmem:s28], [sflag:$0x5], $0x8000, $0x38;
	[tilespmem:$0x18100] =	vst v63  }
0xcc: {  	_ =	swait.ge [sflag:s21], $0x8000  }
0xcd: {  	[sflag:s21] =	ssyncset.done $0x0  }
0xce: {  	[sflag:s21] =	ssyncadd.s32 $0xFFFF8000  }
0xcf: {  	_ =	swait.ge [sflag:s22], $0x8000  }
0xd0: {  	[sflag:s22] =	ssyncset.done $0x0  }
0xd1: {  	[sflag:s22] =	ssyncadd.s32 $0xFFFF8000  }
0xd2: {  	v2 =	vld.msk [tilespmem:s23+$0x0], $0xff;
	_ =	sdelay $0x4  }
0xd3: {  	v3 =	vshll.u32 v2, $0x5  }
0xd4: {  	v2 =	vand.u32 $0x7, v2;
	v3 =	vand.u32 $0xFFFFFF00, v3  }
0xd5: {  	v2 =	vor.u32 v2, v3  }
0xd6: {  	v2 =	vperm.xlane v2, v0;
	_ =	sdelay $0x1  }
0xd7: {  	v2 =	vadd.s32 v1, v2;
	_ =	sdelay $0x4  }
0xd8: {  	[tilespmem:s28], [sflag:$0x2] =	stream.indirect_vreg.gather [hbm4b:s2+s3], $0x80, v2, vm0, $0xb8;
	[tilespmem:$0x18100] =	vst v63  }
0xd9: {  	s29 =	simm.s32 $0x8900  }
0xda: {  	[tilespmem:s29], [sflag:$0x2] =	stream.indirect_vreg.gather [hbm4b:s5+s3], $0x80, v2, vm0, $0xb8;
	[tilespmem:$0x18100] =	vst v63  }
0xdb: {  	s29 =	simm.s32 $0x9100  }
0xdc: {  	[tilespmem:s29], [sflag:$0x2] =	stream.indirect_vreg.gather [hbm4b:s6+s3], $0x80, v2, vm0, $0xb8;
	[tilespmem:$0x18100] =	vst v63  }
0xdd: {  	s29 =	simm.s32 $0x9900  }
0xde: {  	[tilespmem:s29], [sflag:$0x2] =	stream.indirect_vreg.gather [hbm4b:s7+s3], $0x80, v2, vm0, $0xb8;
	[tilespmem:$0x18100] =	vst v63  }
0xdf: {  	s29 =	simm.s32 $0xA100  }
0xe0: {  	[tilespmem:s29], [sflag:$0x2] =	stream.indirect_vreg.gather [hbm4b:s8+s3], $0x80, v2, vm0, $0xb8;
	[tilespmem:$0x18100] =	vst v63  }
0xe1: {  	s29 =	simm.s32 $0xA900  }
0xe2: {  	[tilespmem:s29], [sflag:$0x2] =	stream.indirect_vreg.gather [hbm4b:s9+s3], $0x80, v2, vm0, $0xb8;
	[tilespmem:$0x18100] =	vst v63  }
0xe3: {  	s29 =	simm.s32 $0xB100  }
0xe4: {  	[tilespmem:s29], [sflag:$0x2] =	stream.indirect_vreg.gather [hbm4b:s10+s3], $0x80, v2, vm0, $0xb8;
	[tilespmem:$0x18100] =	vst v63  }
0xe5: {  	s29 =	simm.s32 $0xB900  }
0xe6: {  	[tilespmem:s29], [sflag:$0x2] =	stream.indirect_vreg.gather [hbm4b:s11+s3], $0x80, v2, vm0, $0xb8;
	[tilespmem:$0x18100] =	vst v63  }
0xe7: {  	s29 =	simm.s32 $0xC100  }
0xe8: {  	[tilespmem:s29], [sflag:$0x2] =	stream.indirect_vreg.gather [hbm4b:s12+s3], $0x80, v2, vm0, $0xb8;
	[tilespmem:$0x18100] =	vst v63  }
0xe9: {  	s29 =	simm.s32 $0xC900  }
0xea: {  	[tilespmem:s29], [sflag:$0x2] =	stream.indirect_vreg.gather [hbm4b:s13+s3], $0x80, v2, vm0, $0xb8;
	[tilespmem:$0x18100] =	vst v63  }
0xeb: {  	s29 =	simm.s32 $0xD100  }
0xec: {  	[tilespmem:s29], [sflag:$0x2] =	stream.indirect_vreg.gather [hbm4b:s14+s3], $0x80, v2, vm0, $0xb8;
	[tilespmem:$0x18100] =	vst v63  }
0xed: {  	s29 =	simm.s32 $0xD900  }
0xee: {  	[tilespmem:s29], [sflag:$0x2] =	stream.indirect_vreg.gather [hbm4b:s15+s3], $0x80, v2, vm0, $0xb8;
	[tilespmem:$0x18100] =	vst v63  }
0xef: {  	s29 =	simm.s32 $0xE100  }
0xf0: {  	[tilespmem:s29], [sflag:$0x2] =	stream.indirect_vreg.gather [hbm4b:s16+s3], $0x80, v2, vm0, $0xb8;
	[tilespmem:$0x18100] =	vst v63  }
0xf1: {  	s25 =	sadd.s32 $0x3000, s25;
	s29 =	simm.s32 $0xE900  }
0xf2: {  	[tilespmem:s29], [sflag:$0x2] =	stream.indirect_vreg.gather [hbm4b:s17+s3], $0x80, v2, vm0, $0xb8;
	[tilespmem:$0x18100] =	vst v63  }
0xf3: {  	p0 =	sne.s32 s25, $0x1E000;
	s29 =	simm.s32 $0xF100  }
0xf4: {  	[tilespmem:s29], [sflag:$0x2] =	stream.indirect_vreg.gather [hbm4b:s18+s3], $0x80, v2, vm0, $0xb8;
	[tilespmem:$0x18100] =	vst v63  }
.Ltmp0:
0xf5: {  	_ = 	snop;
	(pc) =	sbr.rel @p0 .LBB2_2-.Ltmp0, $4  }
0xf6: {  	_ = 	snop  }
0xf7: {  	[tilespmem:s30], [sflag:$0x2] =	stream.indirect_vreg.gather [hbm4b:s19+s3], $0x80, v2, vm0, $0xb8;
	[tilespmem:$0x18100] =	vst v63  }
0xf8: {  	s26 =	sadd.s32 $0x2000, s26;
	s23 =	sadd.s32 $0x18, s23  }
0xf9: {  	[hbm4b:s26+s3] =	stream.linear.scatter [tilespmem:s0], [sflag:$0x6], $0x8000, $0x38;
	[tilespmem:$0x18100] =	vst v63  }
0xfa: {  	_ =	swait.ge [sflag:s1], $0x8000  }
0xfb: {  	[sflag:s1] =	ssyncset.done $0x0  }
0xfc: {  	s23 =	rddreg [dreg:$0x15];
	[sflag:s1] =	ssyncadd.s32 $0xFFFF8000  }
0xfd: {  	[hbm4b:s23+s3] =	stream.linear.scatter [tilespmem:s24], [sflag:$0x4], $0x8000, $0x38;
	[tilespmem:$0x18100] =	vst v63  }
0xfe: {  	_ =	swait.ge [sflag:s4], $0x8000  }
0xff: {  	[sflag:s4] =	ssyncset.done $0x0  }
0x100: {  	s25 =	simm.s32 $0x6;
	s26 =	rddreg [dreg:$0x16];
	[sflag:s4] =	ssyncadd.s32 $0xFFFF8000  }
0x101: {  	[hbm4b:s26+s3] =	stream.linear.scatter [tilespmem:s28], [sflag:$0x5], $0x8000, $0x38;
	[tilespmem:$0x18100] =	vst v63  }
0x102: {  	_ =	swait.ge [sflag:s25], $0x8000  }
0x103: {  	[sflag:s25] =	ssyncset.done $0x0  }
0x104: {  	[sflag:s25] =	ssyncadd.s32 $0xFFFF8000  }
0x105: {  	_ =	swait.ge [sflag:s20], $0x8000  }
0x106: {  	[sflag:s20] =	ssyncset.done $0x0  }
0x107: {  	[sflag:s20] =	ssyncadd.s32 $0xFFFF8000  }
0x108: {  	_ =	swait.ge [sflag:s22], $0x8000  }
0x109: {  	s25 =	rddreg [dreg:$0x18]  }
0x10a: {  	s26 =	rddreg [dreg:$0x17];
	s25 =	sadd.s32 $0x1, s25  }
0x10b: {  	p0 =	sne.s32 s25, s26  }
.Ltmp1:
0x10c: {  	_ = 	snop;
	(pc) =	sbr.rel @p0 .LBB2_1-.Ltmp1, $4  }
0x10d: {  	_ = 	snop  }
0x10e: {  	s29 =	simm.s32 $0x1900;
	[sflag:s22] =	ssyncset.done $0x0  }
0x10f: {  	s30 =	simm.s32 $0x2100;
	s31 =	simm.s32 $0x2900;
	[sflag:s22] =	ssyncadd.s32 $0xFFFF8000  }
0x110: {  	[dreg:$0x18] =	wrdreg s25;
	s25 =	simm.s32 $0x900;
	s26 =	simm.s32 $0x1100  }
0x111: {  	_ =	sfence.sel $0x180000  }
0x112: {  	[bflag:$0x0] =	sbarrier.arrive $0xFFFF  }
0x113: {  	_ =	strace $0x90000047  }
0x114: {  	s0 =	stileid.u32;
	[bflag:$0x2] =	sbarrier.arrive $0xFFFF  }
0x115: {  	p0 =	sne.s32 s0, $0x0;
	s0 =	rddreg [dreg:$0x3]  }
0x116: {  	s0 =	sadd.s32 @!p0 $0x100000, s0  }
0x117: {  	[sflag:s0] =	ssyncadd.tile.s32 @!p0 $0x1;
	_ =	shalt  }
.Lfunc_end2:
_tile_overlayer_lowered:
.L_overlay_start_2:
0x118: {  	(tag) =	ssettag $0x2  }
0x119: {  	s0 =	rddreg [dreg:$0x0];
	s2 =	stileid.u32  }
0x11a: {  	s1 =	rddreg [dreg:$0x1];
	p0 =	sne.s32 s2, $0x0  }
0x11b: {  	s3 =	rddreg [dreg:$0x2];
	[bflag:$0x3] =	sbarrier.arrive $0xFFFF;
	s2 =	simm.s32 @!p0 $0x1C07  }
0x11c: {  	[timem:s3], [sflag:s2] =	dma.local @!p0 [hbm:s0], s1  }
0x11d: {  	s0 =	simm.s32 @!p0 $0x7  }
0x11e: {  	_ =	swait.ge @!p0 [sflag:s0], s1  }
0x11f: {  	s1 =	ssub.s32 @!p0 $0x0, s1;
	[sflag:s0] =	ssyncset.done @!p0 $0x0  }
0x120: {  	[sflag:s0] =	ssyncadd.s32 @!p0 s1  }
0x121: {  	[bflag:$0x3] =	sbarrier.arrive $0xFFFF  }
0x122: {  	_ =	shalt  }

</sc_bundles>
